<compile_context>
chip_gen: v7x
topology: tpu7x:2x2x1
jax: 0.10.2.dev20260603
libtpu: 0.0.44.dev20260713+nightly
codegen_flags: <defaults>
</compile_context>

<pallas_src>
import functools

import jax
import jax.numpy as jnp
from jax import lax
from jax.experimental import pallas as pl
from jax.experimental.pallas import tpu as pltpu
from jax.experimental.pallas import tpu_sc as plsc

VOCAB = 100000
EMB = 128
HID = 128
CTX = 200

NC = 2
NS = 16
NW = NC * NS
ROWS_PER_W = 8
CTX_PAD = NW * ROWS_PER_W

GBLK = 4000
NBLK = VOCAB // GBLK


def _sc_gather_sum(idx_pad, table):
    mesh = plsc.VectorSubcoreMesh(core_axis_name="c", subcore_axis_name="s")

    @functools.partial(
        pl.kernel,
        mesh=mesh,
        out_type=jax.ShapeDtypeStruct((NW, EMB), jnp.float32),
        scratch_types=[
            pltpu.VMEM((ROWS_PER_W,), jnp.int32),
            pltpu.VMEM((ROWS_PER_W, EMB), jnp.float32),
            pltpu.VMEM((EMB,), jnp.float32),
            pltpu.SemaphoreType.DMA,
        ],
    )
    def k(idx_hbm, table_hbm, out_hbm, idx_v, rows_v, acc_v, sem):
        wid = lax.axis_index("s") * NC + lax.axis_index("c")
        base = wid * ROWS_PER_W
        pltpu.sync_copy(idx_hbm.at[pl.ds(base, ROWS_PER_W)], idx_v)
        pltpu.async_copy(table_hbm.at[idx_v], rows_v, sem).wait()
        for c in range(EMB // 16):
            acc = jnp.zeros((16,), jnp.float32)
            for j in range(ROWS_PER_W):
                w = (base + j < CTX).astype(jnp.float32)
                acc = acc + rows_v[j, pl.ds(c * 16, 16)] * w
            acc_v[pl.ds(c * 16, 16)] = acc
        pltpu.sync_copy(acc_v, out_hbm.at[wid])

    return k(idx_pad, table)


def _logits_body(p_ref, w1_ref, b1_ref, w2_ref, b2_ref,
                 logits_ref, lse_ref, h_ref, m_ref, s_ref):
    i = pl.program_id(0)

    @pl.when(i == 0)
    def _():
        e = jnp.sum(p_ref[...], axis=0, keepdims=True)
        e8 = jnp.broadcast_to(e, (8, EMB))
        h = lax.dot_general(e8, w1_ref[...], (((1,), (1,)), ((), ())),
                            preferred_element_type=jnp.float32)
        h_ref[...] = jnp.maximum(h + b1_ref[...], 0.0)
        m_ref[0, 0] = -jnp.inf
        s_ref[0, 0] = 0.0

    lg = lax.dot_general(h_ref[...], w2_ref[0], (((1,), (1,)), ((), ())),
                         preferred_element_type=jnp.float32)
    lg = lg[0:1, :] + b2_ref[0]
    logits_ref[0] = lg

    m_old = m_ref[0, 0]
    m_new = jnp.maximum(m_old, jnp.max(lg))
    s_ref[0, 0] = s_ref[0, 0] * jnp.exp(m_old - m_new) + jnp.sum(jnp.exp(lg - m_new))
    m_ref[0, 0] = m_new

    @pl.when(i == NBLK - 1)
    def _():
        lse_ref[0, 0] = m_ref[0, 0] + jnp.log(s_ref[0, 0])


def _tc_logits(partials, W1, b1r, W2r, b2r):
    return pl.pallas_call(
        _logits_body,
        grid=(NBLK,),
        in_specs=[
            pl.BlockSpec((NW, EMB), lambda i: (0, 0)),
            pl.BlockSpec((HID, EMB), lambda i: (0, 0)),
            pl.BlockSpec((1, HID), lambda i: (0, 0)),
            pl.BlockSpec((1, GBLK, EMB), lambda i: (i, 0, 0)),
            pl.BlockSpec((1, 1, GBLK), lambda i: (i, 0, 0)),
        ],
        out_specs=[
            pl.BlockSpec((1, 1, GBLK), lambda i: (i, 0, 0)),
            pl.BlockSpec(memory_space=pltpu.SMEM, block_shape=(1, 1),
                         index_map=lambda i: (0, 0)),
        ],
        out_shape=[
            jax.ShapeDtypeStruct((NBLK, 1, GBLK), jnp.float32),
            jax.ShapeDtypeStruct((1, 1), jnp.float32),
        ],
        scratch_shapes=[
            pltpu.VMEM((8, HID), jnp.float32),
            pltpu.SMEM((1, 1), jnp.float32),
            pltpu.SMEM((1, 1), jnp.float32),
        ],
    )(partials, W1, b1r, W2r, b2r)


def _norm_body(lg_ref, lse_ref, out_ref):
    out_ref[0] = lg_ref[0] - lse_ref[0, 0]


def _tc_norm(logits, lse):
    return pl.pallas_call(
        _norm_body,
        grid=(NBLK,),
        in_specs=[
            pl.BlockSpec((1, 1, GBLK), lambda i: (i, 0, 0)),
            pl.BlockSpec(memory_space=pltpu.SMEM, block_shape=(1, 1),
                         index_map=lambda i: (0, 0)),
        ],
        out_specs=pl.BlockSpec((1, 1, GBLK), lambda i: (i, 0, 0)),
        out_shape=jax.ShapeDtypeStruct((NBLK, 1, GBLK), jnp.float32),
    )(logits, lse)


def kernel(inputs, emb_table, W1, b1, W2, b2):
    idx = inputs.astype(jnp.int32)
    idx_pad = jnp.concatenate([idx, jnp.zeros((CTX_PAD - CTX,), jnp.int32)])
    partials = _sc_gather_sum(idx_pad, emb_table)
    logits, lse = _tc_logits(
        partials,
        W1,
        b1.reshape(1, HID),
        W2.reshape(NBLK, GBLK, EMB),
        b2.reshape(NBLK, 1, GBLK),
    )
    out = _tc_norm(logits, lse)
    return out.reshape(1, VOCAB)

# --- scband reference (transcript-rebuilt; emitter-appended) ---
"""Pipeline reference for scband-cbow-59889023975831 (READ-ONLY COPY).

The authoritative reference and input builder live on the scoring server;
editing this copy changes nothing except your own understanding.
"""

import jax, jax.numpy as jnp
import numpy as np

VOCAB = 100000
EMB = 128
HID = 128
CTX = 200

def setup_inputs(seed: int = 0) -> dict:
    key = jax.random.key(seed)
    k1, k2, k3, k4, k5, k6 = jax.random.split(key, 6)
    inputs = jax.random.randint(k1, (CTX,), 0, VOCAB, dtype=jnp.int64)
    emb_table = jax.random.normal(k2, (VOCAB, EMB), dtype=jnp.float32)
    W1 = jax.random.normal(k3, (HID, EMB), dtype=jnp.float32) * (1.0 / np.sqrt(EMB))
    b1 = jax.random.normal(k4, (HID,), dtype=jnp.float32) * 0.01
    W2 = jax.random.normal(k5, (VOCAB, HID), dtype=jnp.float32) * (1.0 / np.sqrt(HID))
    b2 = jax.random.normal(k6, (VOCAB,), dtype=jnp.float32) * 0.01
    return {"inputs": inputs, "emb_table": emb_table, "W1": W1, "b1": b1, "W2": W2, "b2": b2}

def reference(inputs, emb_table, W1, b1, W2, b2):
    # embeds = sum(self.embeddings(inputs)).view(1, -1)
    gathered = jnp.take(emb_table, inputs, axis=0)        # [CTX, EMB]
    embeds = jnp.sum(gathered, axis=0).reshape(1, -1)     # [1, EMB]
    out = embeds @ W1.T + b1                               # linear1
    out = jax.nn.relu(out)                                 # ReLU
    out = out @ W2.T + b2                                  # linear2
    out = jax.nn.log_softmax(out, axis=-1)                 # LogSoftmax(dim=-1)
    return out

if __name__ == "__main__":
    import jax
    _d = setup_inputs()
    print(jax.jit(kernel)(*tuple(_d.values())))

</pallas_src>

<mosaic_0001>
#map = affine_map<(d0, d1) -> (0)>
#map1 = affine_map<(d0, d1) -> (0, 0)>
module attributes {stable_mosaic.version = 14 : i64} {
  func.func @k(%arg0: i32, %arg1: i32, %arg2: memref<256xi32, #tpu.memory_space<hbm>>, %arg3: memref<100000x128xf32, #tpu.memory_space<hbm>>, %arg4: memref<32x128xf32, #tpu.memory_space<hbm>>, %arg5: memref<8xi32, #tpu.memory_space<vmem>>, %arg6: memref<8x128xf32, #tpu.memory_space<vmem>>, %arg7: memref<128xf32, #tpu.memory_space<vmem>>, %arg8: memref<!tpu.dma_semaphore, #tpu.memory_space<semaphore_mem>>) attributes {dimension_semantics = [#tpu.dimension_semantics<core_parallel>, #tpu.dimension_semantics<subcore_parallel>], iteration_bounds = array<i64: 2, 16>, scalar_prefetch = 0 : i64, scratch_operands = 4 : i64, tpu.core_type = #tpu.core_type<sc_vector_subcore>, window_params = [{transform_indices = #map}, {transform_indices = #map1}, {transform_indices = #map1}]} {
    %mul3A = arith.constant 2 : i32
    %mul3A_0 = arith.muli %arg1, %mul3A : i32
    %add3A = arith.addi %mul3A_0, %arg0 : i32
    %mul3A_1 = arith.constant 8 : i32
    %mul3A_2 = arith.muli %add3A, %mul3A_1 : i32
    "tpu.region"() ({
      %run_scoped3A = tpu.sem_alloc : memref<!tpu.dma_semaphore, #tpu.memory_space<semaphore_mem>>
      %dma_start3A_946 = tpu.memref_slice %arg2[%mul3A_2] : memref<256xi32, #tpu.memory_space<hbm>> -> memref<8xi32, #tpu.memory_space<hbm>>
      %dma_start3A_947 = tpu.memref_slice %arg2[%mul3A_2] : memref<256xi32, #tpu.memory_space<hbm>> -> memref<8xi32, #tpu.memory_space<hbm>>
      tpu.enqueue_dma source(%dma_start3A_947 : memref<8xi32, #tpu.memory_space<hbm>>) target(%arg5 : memref<8xi32, #tpu.memory_space<vmem>>) target_semaphore(%run_scoped3A : memref<!tpu.dma_semaphore, #tpu.memory_space<semaphore_mem>>)
      %dma_wait3A_948 = tpu.memref_slice %arg2[%mul3A_2] : memref<256xi32, #tpu.memory_space<hbm>> -> memref<8xi32, #tpu.memory_space<hbm>>
      %dma_wait3A_949 = tpu.memref_slice %arg2[%mul3A_2] : memref<256xi32, #tpu.memory_space<hbm>> -> memref<8xi32, #tpu.memory_space<hbm>>
      tpu.wait_dma2 semaphore(%run_scoped3A : memref<!tpu.dma_semaphore, #tpu.memory_space<semaphore_mem>>) src(%dma_wait3A_949 : memref<8xi32, #tpu.memory_space<hbm>>) dst(%arg5 : memref<8xi32, #tpu.memory_space<vmem>>)
      tpu.yield
    }) : () -> ()
    %dma_start3A = arith.constant 0 : i32
    %dma_start3A_3 = arith.constant 0 : i32
    %dma_start3A_4 = tpu.memref_slice %arg3[%dma_start3A, %dma_start3A_3] : memref<100000x128xf32, #tpu.memory_space<hbm>> -> memref<100000x128xf32, #tpu.memory_space<hbm>>
    tpu.enqueue_indirect_dma source(%dma_start3A_4 : memref<100000x128xf32, #tpu.memory_space<hbm>>) target(%arg6 : memref<8x128xf32, #tpu.memory_space<vmem>>) offsets(%arg5 : memref<8xi32, #tpu.memory_space<vmem>>) semaphore(%arg8 : memref<!tpu.dma_semaphore, #tpu.memory_space<semaphore_mem>>)
    %dma_wait3A = arith.constant 0 : i32
    %dma_wait3A_5 = arith.constant 0 : i32
    %dma_wait3A_6 = tpu.memref_slice %arg3[%dma_wait3A, %dma_wait3A_5] : memref<100000x128xf32, #tpu.memory_space<hbm>> -> memref<100000x128xf32, #tpu.memory_space<hbm>>
    tpu.wait_indirect_dma semaphore(%arg8 : memref<!tpu.dma_semaphore, #tpu.memory_space<semaphore_mem>>) src(%dma_wait3A_6 : memref<100000x128xf32, #tpu.memory_space<hbm>>) dst(%arg6 : memref<8x128xf32, #tpu.memory_space<vmem>>)
    %broadcast_in_dim3A = arith.constant 0.000000e+00 : f32
    %broadcast_in_dim3A_7 = vector.broadcast %broadcast_in_dim3A : f32 to vector<16xf32>
    %add3A_8 = arith.constant 0 : i32
    %add3A_9 = arith.addi %mul3A_2, %add3A_8 : i32
    %lt3A = arith.constant 200 : i32
    %lt3A_10 = arith.cmpi slt, %add3A_9, %lt3A : i32
    %convert_element_type3A = arith.extui %lt3A_10 : i1 to i32
    %convert_element_type3A_11 = arith.sitofp %convert_element_type3A : i32 to f32
    %get3A = arith.constant 0 : i32
    %get3A_12 = arith.index_cast %get3A : i32 to index
    %get3A_13 = arith.constant 0 : index
    %get3A_14 = tpu.vector_load %arg6[%get3A_12, %get3A_13] {strides = array<i32>} : memref<8x128xf32, #tpu.memory_space<vmem>>, vector<1x16xf32>,
    %get3A_15 = vector.shape_cast %get3A_14 : vector<1x16xf32> to vector<16xf32>
    %mul3A_16 = vector.broadcast %convert_element_type3A_11 : f32 to vector<16xf32>
    %mul3A_17 = arith.mulf %get3A_15, %mul3A_16 : vector<16xf32>
    %add3A_18 = arith.addf %broadcast_in_dim3A_7, %mul3A_17 : vector<16xf32>
    %add3A_19 = arith.constant 1 : i32
    %add3A_20 = arith.addi %mul3A_2, %add3A_19 : i32
    %lt3A_21 = arith.constant 200 : i32
    %lt3A_22 = arith.cmpi slt, %add3A_20, %lt3A_21 : i32
    %convert_element_type3A_23 = arith.extui %lt3A_22 : i1 to i32
    %convert_element_type3A_24 = arith.sitofp %convert_element_type3A_23 : i32 to f32
    %get3A_25 = arith.constant 1 : i32
    %get3A_26 = arith.index_cast %get3A_25 : i32 to index
    %get3A_27 = arith.constant 0 : index
    %get3A_28 = tpu.vector_load %arg6[%get3A_26, %get3A_27] {strides = array<i32>} : memref<8x128xf32, #tpu.memory_space<vmem>>, vector<1x16xf32>,
    %get3A_29 = vector.shape_cast %get3A_28 : vector<1x16xf32> to vector<16xf32>
    %mul3A_30 = vector.broadcast %convert_element_type3A_24 : f32 to vector<16xf32>
    %mul3A_31 = arith.mulf %get3A_29, %mul3A_30 : vector<16xf32>
    %add3A_32 = arith.addf %add3A_18, %mul3A_31 : vector<16xf32>
    %add3A_33 = arith.constant 2 : i32
    %add3A_34 = arith.addi %mul3A_2, %add3A_33 : i32
    %lt3A_35 = arith.constant 200 : i32
    %lt3A_36 = arith.cmpi slt, %add3A_34, %lt3A_35 : i32
    %convert_element_type3A_37 = arith.extui %lt3A_36 : i1 to i32
    %convert_element_type3A_38 = arith.sitofp %convert_element_type3A_37 : i32 to f32
    %get3A_39 = arith.constant 2 : i32
    %get3A_40 = arith.index_cast %get3A_39 : i32 to index
    %get3A_41 = arith.constant 0 : index
    %get3A_42 = tpu.vector_load %arg6[%get3A_40, %get3A_41] {strides = array<i32>} : memref<8x128xf32, #tpu.memory_space<vmem>>, vector<1x16xf32>,
    %get3A_43 = vector.shape_cast %get3A_42 : vector<1x16xf32> to vector<16xf32>
    %mul3A_44 = vector.broadcast %convert_element_type3A_38 : f32 to vector<16xf32>
    %mul3A_45 = arith.mulf %get3A_43, %mul3A_44 : vector<16xf32>
    %add3A_46 = arith.addf %add3A_32, %mul3A_45 : vector<16xf32>
    %add3A_47 = arith.constant 3 : i32
    %add3A_48 = arith.addi %mul3A_2, %add3A_47 : i32
    %lt3A_49 = arith.constant 200 : i32
    %lt3A_50 = arith.cmpi slt, %add3A_48, %lt3A_49 : i32
    %convert_element_type3A_51 = arith.extui %lt3A_50 : i1 to i32
    %convert_element_type3A_52 = arith.sitofp %convert_element_type3A_51 : i32 to f32
    %get3A_53 = arith.constant 3 : i32
    %get3A_54 = arith.index_cast %get3A_53 : i32 to index
    %get3A_55 = arith.constant 0 : index
    %get3A_56 = tpu.vector_load %arg6[%get3A_54, %get3A_55] {strides = array<i32>} : memref<8x128xf32, #tpu.memory_space<vmem>>, vector<1x16xf32>,
    %get3A_57 = vector.shape_cast %get3A_56 : vector<1x16xf32> to vector<16xf32>
    %mul3A_58 = vector.broadcast %convert_element_type3A_52 : f32 to vector<16xf32>
    %mul3A_59 = arith.mulf %get3A_57, %mul3A_58 : vector<16xf32>
    %add3A_60 = arith.addf %add3A_46, %mul3A_59 : vector<16xf32>
    %add3A_61 = arith.constant 4 : i32
    %add3A_62 = arith.addi %mul3A_2, %add3A_61 : i32
    %lt3A_63 = arith.constant 200 : i32
    %lt3A_64 = arith.cmpi slt, %add3A_62, %lt3A_63 : i32
    %convert_element_type3A_65 = arith.extui %lt3A_64 : i1 to i32
    %convert_element_type3A_66 = arith.sitofp %convert_element_type3A_65 : i32 to f32
    %get3A_67 = arith.constant 4 : i32
    %get3A_68 = arith.index_cast %get3A_67 : i32 to index
    %get3A_69 = arith.constant 0 : index
    %get3A_70 = tpu.vector_load %arg6[%get3A_68, %get3A_69] {strides = array<i32>} : memref<8x128xf32, #tpu.memory_space<vmem>>, vector<1x16xf32>,
    %get3A_71 = vector.shape_cast %get3A_70 : vector<1x16xf32> to vector<16xf32>
    %mul3A_72 = vector.broadcast %convert_element_type3A_66 : f32 to vector<16xf32>
    %mul3A_73 = arith.mulf %get3A_71, %mul3A_72 : vector<16xf32>
    %add3A_74 = arith.addf %add3A_60, %mul3A_73 : vector<16xf32>
    %add3A_75 = arith.constant 5 : i32
    %add3A_76 = arith.addi %mul3A_2, %add3A_75 : i32
    %lt3A_77 = arith.constant 200 : i32
    %lt3A_78 = arith.cmpi slt, %add3A_76, %lt3A_77 : i32
    %convert_element_type3A_79 = arith.extui %lt3A_78 : i1 to i32
    %convert_element_type3A_80 = arith.sitofp %convert_element_type3A_79 : i32 to f32
    %get3A_81 = arith.constant 5 : i32
    %get3A_82 = arith.index_cast %get3A_81 : i32 to index
    %get3A_83 = arith.constant 0 : index
    %get3A_84 = tpu.vector_load %arg6[%get3A_82, %get3A_83] {strides = array<i32>} : memref<8x128xf32, #tpu.memory_space<vmem>>, vector<1x16xf32>,
    %get3A_85 = vector.shape_cast %get3A_84 : vector<1x16xf32> to vector<16xf32>
    %mul3A_86 = vector.broadcast %convert_element_type3A_80 : f32 to vector<16xf32>
    %mul3A_87 = arith.mulf %get3A_85, %mul3A_86 : vector<16xf32>
    %add3A_88 = arith.addf %add3A_74, %mul3A_87 : vector<16xf32>
    %add3A_89 = arith.constant 6 : i32
    %add3A_90 = arith.addi %mul3A_2, %add3A_89 : i32
    %lt3A_91 = arith.constant 200 : i32
    %lt3A_92 = arith.cmpi slt, %add3A_90, %lt3A_91 : i32
    %convert_element_type3A_93 = arith.extui %lt3A_92 : i1 to i32
    %convert_element_type3A_94 = arith.sitofp %convert_element_type3A_93 : i32 to f32
    %get3A_95 = arith.constant 6 : i32
    %get3A_96 = arith.index_cast %get3A_95 : i32 to index
    %get3A_97 = arith.constant 0 : index
    %get3A_98 = tpu.vector_load %arg6[%get3A_96, %get3A_97] {strides = array<i32>} : memref<8x128xf32, #tpu.memory_space<vmem>>, vector<1x16xf32>,
    %get3A_99 = vector.shape_cast %get3A_98 : vector<1x16xf32> to vector<16xf32>
    %mul3A_100 = vector.broadcast %convert_element_type3A_94 : f32 to vector<16xf32>
    %mul3A_101 = arith.mulf %get3A_99, %mul3A_100 : vector<16xf32>
    %add3A_102 = arith.addf %add3A_88, %mul3A_101 : vector<16xf32>
    %add3A_103 = arith.constant 7 : i32
    %add3A_104 = arith.addi %mul3A_2, %add3A_103 : i32
    %lt3A_105 = arith.constant 200 : i32
    %lt3A_106 = arith.cmpi slt, %add3A_104, %lt3A_105 : i32
    %convert_element_type3A_107 = arith.extui %lt3A_106 : i1 to i32
    %convert_element_type3A_108 = arith.sitofp %convert_element_type3A_107 : i32 to f32
    %get3A_109 = arith.constant 7 : i32
    %get3A_110 = arith.index_cast %get3A_109 : i32 to index
    %get3A_111 = arith.constant 0 : index
    %get3A_112 = tpu.vector_load %arg6[%get3A_110, %get3A_111] {strides = array<i32>} : memref<8x128xf32, #tpu.memory_space<vmem>>, vector<1x16xf32>,
    %get3A_113 = vector.shape_cast %get3A_112 : vector<1x16xf32> to vector<16xf32>
    %mul3A_114 = vector.broadcast %convert_element_type3A_108 : f32 to vector<16xf32>
    %mul3A_115 = arith.mulf %get3A_113, %mul3A_114 : vector<16xf32>
    %add3A_116 = arith.addf %add3A_102, %mul3A_115 : vector<16xf32>
    %swap3A = arith.constant 0 : index
    %swap3A_117 = tpu.vector_load %arg7[%swap3A] {strides = array<i32>} : memref<128xf32, #tpu.memory_space<vmem>>, vector<16xf32>,
    %swap3A_118 = vector.shape_cast %swap3A_117 : vector<16xf32> to vector<16xf32>
    %swap3A_119 = vector.shape_cast %add3A_116 : vector<16xf32> to vector<16xf32>
    tpu.vector_store %arg7[%swap3A], %swap3A_119 {strides = array<i32>} : memref<128xf32, #tpu.memory_space<vmem>>, vector<16xf32>,
    %broadcast_in_dim3A_120 = arith.constant 0.000000e+00 : f32
    %broadcast_in_dim3A_121 = vector.broadcast %broadcast_in_dim3A_120 : f32 to vector<16xf32>
    %add3A_122 = arith.constant 0 : i32
    %add3A_123 = arith.addi %mul3A_2, %add3A_122 : i32
    %lt3A_124 = arith.constant 200 : i32
    %lt3A_125 = arith.cmpi slt, %add3A_123, %lt3A_124 : i32
    %convert_element_type3A_126 = arith.extui %lt3A_125 : i1 to i32
    %convert_element_type3A_127 = arith.sitofp %convert_element_type3A_126 : i32 to f32
    %get3A_128 = arith.constant 0 : i32
    %get3A_129 = arith.index_cast %get3A_128 : i32 to index
    %get3A_130 = arith.constant 16 : index
    %get3A_131 = tpu.vector_load %arg6[%get3A_129, %get3A_130] {strides = array<i32>} : memref<8x128xf32, #tpu.memory_space<vmem>>, vector<1x16xf32>,
    %get3A_132 = vector.shape_cast %get3A_131 : vector<1x16xf32> to vector<16xf32>
    %mul3A_133 = vector.broadcast %convert_element_type3A_127 : f32 to vector<16xf32>
    %mul3A_134 = arith.mulf %get3A_132, %mul3A_133 : vector<16xf32>
    %add3A_135 = arith.addf %broadcast_in_dim3A_121, %mul3A_134 : vector<16xf32>
    %add3A_136 = arith.constant 1 : i32
    %add3A_137 = arith.addi %mul3A_2, %add3A_136 : i32
    %lt3A_138 = arith.constant 200 : i32
    %lt3A_139 = arith.cmpi slt, %add3A_137, %lt3A_138 : i32
    %convert_element_type3A_140 = arith.extui %lt3A_139 : i1 to i32
    %convert_element_type3A_141 = arith.sitofp %convert_element_type3A_140 : i32 to f32
    %get3A_142 = arith.constant 1 : i32
    %get3A_143 = arith.index_cast %get3A_142 : i32 to index
    %get3A_144 = arith.constant 16 : index
    %get3A_145 = tpu.vector_load %arg6[%get3A_143, %get3A_144] {strides = array<i32>} : memref<8x128xf32, #tpu.memory_space<vmem>>, vector<1x16xf32>,
    %get3A_146 = vector.shape_cast %get3A_145 : vector<1x16xf32> to vector<16xf32>
    %mul3A_147 = vector.broadcast %convert_element_type3A_141 : f32 to vector<16xf32>
    %mul3A_148 = arith.mulf %get3A_146, %mul3A_147 : vector<16xf32>
    %add3A_149 = arith.addf %add3A_135, %mul3A_148 : vector<16xf32>
    %add3A_150 = arith.constant 2 : i32
    %add3A_151 = arith.addi %mul3A_2, %add3A_150 : i32
    %lt3A_152 = arith.constant 200 : i32
    %lt3A_153 = arith.cmpi slt, %add3A_151, %lt3A_152 : i32
    %convert_element_type3A_154 = arith.extui %lt3A_153 : i1 to i32
    %convert_element_type3A_155 = arith.sitofp %convert_element_type3A_154 : i32 to f32
    %get3A_156 = arith.constant 2 : i32
    %get3A_157 = arith.index_cast %get3A_156 : i32 to index
    %get3A_158 = arith.constant 16 : index
    %get3A_159 = tpu.vector_load %arg6[%get3A_157, %get3A_158] {strides = array<i32>} : memref<8x128xf32, #tpu.memory_space<vmem>>, vector<1x16xf32>,
    %get3A_160 = vector.shape_cast %get3A_159 : vector<1x16xf32> to vector<16xf32>
    %mul3A_161 = vector.broadcast %convert_element_type3A_155 : f32 to vector<16xf32>
    %mul3A_162 = arith.mulf %get3A_160, %mul3A_161 : vector<16xf32>
    %add3A_163 = arith.addf %add3A_149, %mul3A_162 : vector<16xf32>
    %add3A_164 = arith.constant 3 : i32
    %add3A_165 = arith.addi %mul3A_2, %add3A_164 : i32
    %lt3A_166 = arith.constant 200 : i32
    %lt3A_167 = arith.cmpi slt, %add3A_165, %lt3A_166 : i32
    %convert_element_type3A_168 = arith.extui %lt3A_167 : i1 to i32
    %convert_element_type3A_169 = arith.sitofp %convert_element_type3A_168 : i32 to f32
    %get3A_170 = arith.constant 3 : i32
    %get3A_171 = arith.index_cast %get3A_170 : i32 to index
    %get3A_172 = arith.constant 16 : index
    %get3A_173 = tpu.vector_load %arg6[%get3A_171, %get3A_172] {strides = array<i32>} : memref<8x128xf32, #tpu.memory_space<vmem>>, vector<1x16xf32>,
    %get3A_174 = vector.shape_cast %get3A_173 : vector<1x16xf32> to vector<16xf32>
    %mul3A_175 = vector.broadcast %convert_element_type3A_169 : f32 to vector<16xf32>
    %mul3A_176 = arith.mulf %get3A_174, %mul3A_175 : vector<16xf32>
    %add3A_177 = arith.addf %add3A_163, %mul3A_176 : vector<16xf32>
    %add3A_178 = arith.constant 4 : i32
    %add3A_179 = arith.addi %mul3A_2, %add3A_178 : i32
    %lt3A_180 = arith.constant 200 : i32
    %lt3A_181 = arith.cmpi slt, %add3A_179, %lt3A_180 : i32
    %convert_element_type3A_182 = arith.extui %lt3A_181 : i1 to i32
    %convert_element_type3A_183 = arith.sitofp %convert_element_type3A_182 : i32 to f32
    %get3A_184 = arith.constant 4 : i32
    %get3A_185 = arith.index_cast %get3A_184 : i32 to index
    %get3A_186 = arith.constant 16 : index
    %get3A_187 = tpu.vector_load %arg6[%get3A_185, %get3A_186] {strides = array<i32>} : memref<8x128xf32, #tpu.memory_space<vmem>>, vector<1x16xf32>,
    %get3A_188 = vector.shape_cast %get3A_187 : vector<1x16xf32> to vector<16xf32>
    %mul3A_189 = vector.broadcast %convert_element_type3A_183 : f32 to vector<16xf32>
    %mul3A_190 = arith.mulf %get3A_188, %mul3A_189 : vector<16xf32>
    %add3A_191 = arith.addf %add3A_177, %mul3A_190 : vector<16xf32>
    %add3A_192 = arith.constant 5 : i32
    %add3A_193 = arith.addi %mul3A_2, %add3A_192 : i32
    %lt3A_194 = arith.constant 200 : i32
    %lt3A_195 = arith.cmpi slt, %add3A_193, %lt3A_194 : i32
    %convert_element_type3A_196 = arith.extui %lt3A_195 : i1 to i32
    %convert_element_type3A_197 = arith.sitofp %convert_element_type3A_196 : i32 to f32
    %get3A_198 = arith.constant 5 : i32
    %get3A_199 = arith.index_cast %get3A_198 : i32 to index
    %get3A_200 = arith.constant 16 : index
    %get3A_201 = tpu.vector_load %arg6[%get3A_199, %get3A_200] {strides = array<i32>} : memref<8x128xf32, #tpu.memory_space<vmem>>, vector<1x16xf32>,
    %get3A_202 = vector.shape_cast %get3A_201 : vector<1x16xf32> to vector<16xf32>
    %mul3A_203 = vector.broadcast %convert_element_type3A_197 : f32 to vector<16xf32>
    %mul3A_204 = arith.mulf %get3A_202, %mul3A_203 : vector<16xf32>
    %add3A_205 = arith.addf %add3A_191, %mul3A_204 : vector<16xf32>
    %add3A_206 = arith.constant 6 : i32
    %add3A_207 = arith.addi %mul3A_2, %add3A_206 : i32
    %lt3A_208 = arith.constant 200 : i32
    %lt3A_209 = arith.cmpi slt, %add3A_207, %lt3A_208 : i32
    %convert_element_type3A_210 = arith.extui %lt3A_209 : i1 to i32
    %convert_element_type3A_211 = arith.sitofp %convert_element_type3A_210 : i32 to f32
    %get3A_212 = arith.constant 6 : i32
    %get3A_213 = arith.index_cast %get3A_212 : i32 to index
    %get3A_214 = arith.constant 16 : index
    %get3A_215 = tpu.vector_load %arg6[%get3A_213, %get3A_214] {strides = array<i32>} : memref<8x128xf32, #tpu.memory_space<vmem>>, vector<1x16xf32>,
    %get3A_216 = vector.shape_cast %get3A_215 : vector<1x16xf32> to vector<16xf32>
    %mul3A_217 = vector.broadcast %convert_element_type3A_211 : f32 to vector<16xf32>
    %mul3A_218 = arith.mulf %get3A_216, %mul3A_217 : vector<16xf32>
    %add3A_219 = arith.addf %add3A_205, %mul3A_218 : vector<16xf32>
    %add3A_220 = arith.constant 7 : i32
    %add3A_221 = arith.addi %mul3A_2, %add3A_220 : i32
    %lt3A_222 = arith.constant 200 : i32
    %lt3A_223 = arith.cmpi slt, %add3A_221, %lt3A_222 : i32
    %convert_element_type3A_224 = arith.extui %lt3A_223 : i1 to i32
    %convert_element_type3A_225 = arith.sitofp %convert_element_type3A_224 : i32 to f32
    %get3A_226 = arith.constant 7 : i32
    %get3A_227 = arith.index_cast %get3A_226 : i32 to index
    %get3A_228 = arith.constant 16 : index
    %get3A_229 = tpu.vector_load %arg6[%get3A_227, %get3A_228] {strides = array<i32>} : memref<8x128xf32, #tpu.memory_space<vmem>>, vector<1x16xf32>,
    %get3A_230 = vector.shape_cast %get3A_229 : vector<1x16xf32> to vector<16xf32>
    %mul3A_231 = vector.broadcast %convert_element_type3A_225 : f32 to vector<16xf32>
    %mul3A_232 = arith.mulf %get3A_230, %mul3A_231 : vector<16xf32>
    %add3A_233 = arith.addf %add3A_219, %mul3A_232 : vector<16xf32>
    %swap3A_234 = arith.constant 16 : index
    %swap3A_235 = tpu.vector_load %arg7[%swap3A_234] {strides = array<i32>} : memref<128xf32, #tpu.memory_space<vmem>>, vector<16xf32>,
    %swap3A_236 = vector.shape_cast %swap3A_235 : vector<16xf32> to vector<16xf32>
    %swap3A_237 = vector.shape_cast %add3A_233 : vector<16xf32> to vector<16xf32>
    tpu.vector_store %arg7[%swap3A_234], %swap3A_237 {strides = array<i32>} : memref<128xf32, #tpu.memory_space<vmem>>, vector<16xf32>,
    %broadcast_in_dim3A_238 = arith.constant 0.000000e+00 : f32
    %broadcast_in_dim3A_239 = vector.broadcast %broadcast_in_dim3A_238 : f32 to vector<16xf32>
    %add3A_240 = arith.constant 0 : i32
    %add3A_241 = arith.addi %mul3A_2, %add3A_240 : i32
    %lt3A_242 = arith.constant 200 : i32
    %lt3A_243 = arith.cmpi slt, %add3A_241, %lt3A_242 : i32
    %convert_element_type3A_244 = arith.extui %lt3A_243 : i1 to i32
    %convert_element_type3A_245 = arith.sitofp %convert_element_type3A_244 : i32 to f32
    %get3A_246 = arith.constant 0 : i32
    %get3A_247 = arith.index_cast %get3A_246 : i32 to index
    %get3A_248 = arith.constant 32 : index
    %get3A_249 = tpu.vector_load %arg6[%get3A_247, %get3A_248] {strides = array<i32>} : memref<8x128xf32, #tpu.memory_space<vmem>>, vector<1x16xf32>,
    %get3A_250 = vector.shape_cast %get3A_249 : vector<1x16xf32> to vector<16xf32>
    %mul3A_251 = vector.broadcast %convert_element_type3A_245 : f32 to vector<16xf32>
    %mul3A_252 = arith.mulf %get3A_250, %mul3A_251 : vector<16xf32>
    %add3A_253 = arith.addf %broadcast_in_dim3A_239, %mul3A_252 : vector<16xf32>
    %add3A_254 = arith.constant 1 : i32
    %add3A_255 = arith.addi %mul3A_2, %add3A_254 : i32
    %lt3A_256 = arith.constant 200 : i32
    %lt3A_257 = arith.cmpi slt, %add3A_255, %lt3A_256 : i32
    %convert_element_type3A_258 = arith.extui %lt3A_257 : i1 to i32
    %convert_element_type3A_259 = arith.sitofp %convert_element_type3A_258 : i32 to f32
    %get3A_260 = arith.constant 1 : i32
    %get3A_261 = arith.index_cast %get3A_260 : i32 to index
    %get3A_262 = arith.constant 32 : index
    %get3A_263 = tpu.vector_load %arg6[%get3A_261, %get3A_262] {strides = array<i32>} : memref<8x128xf32, #tpu.memory_space<vmem>>, vector<1x16xf32>,
    %get3A_264 = vector.shape_cast %get3A_263 : vector<1x16xf32> to vector<16xf32>
    %mul3A_265 = vector.broadcast %convert_element_type3A_259 : f32 to vector<16xf32>
    %mul3A_266 = arith.mulf %get3A_264, %mul3A_265 : vector<16xf32>
    %add3A_267 = arith.addf %add3A_253, %mul3A_266 : vector<16xf32>
    %add3A_268 = arith.constant 2 : i32
    %add3A_269 = arith.addi %mul3A_2, %add3A_268 : i32
    %lt3A_270 = arith.constant 200 : i32
    %lt3A_271 = arith.cmpi slt, %add3A_269, %lt3A_270 : i32
    %convert_element_type3A_272 = arith.extui %lt3A_271 : i1 to i32
    %convert_element_type3A_273 = arith.sitofp %convert_element_type3A_272 : i32 to f32
    %get3A_274 = arith.constant 2 : i32
    %get3A_275 = arith.index_cast %get3A_274 : i32 to index
    %get3A_276 = arith.constant 32 : index
    %get3A_277 = tpu.vector_load %arg6[%get3A_275, %get3A_276] {strides = array<i32>} : memref<8x128xf32, #tpu.memory_space<vmem>>, vector<1x16xf32>,
    %get3A_278 = vector.shape_cast %get3A_277 : vector<1x16xf32> to vector<16xf32>
    %mul3A_279 = vector.broadcast %convert_element_type3A_273 : f32 to vector<16xf32>
    %mul3A_280 = arith.mulf %get3A_278, %mul3A_279 : vector<16xf32>
    %add3A_281 = arith.addf %add3A_267, %mul3A_280 : vector<16xf32>
    %add3A_282 = arith.constant 3 : i32
    %add3A_283 = arith.addi %mul3A_2, %add3A_282 : i32
    %lt3A_284 = arith.constant 200 : i32
    %lt3A_285 = arith.cmpi slt, %add3A_283, %lt3A_284 : i32
    %convert_element_type3A_286 = arith.extui %lt3A_285 : i1 to i32
    %convert_element_type3A_287 = arith.sitofp %convert_element_type3A_286 : i32 to f32
    %get3A_288 = arith.constant 3 : i32
    %get3A_289 = arith.index_cast %get3A_288 : i32 to index
    %get3A_290 = arith.constant 32 : index
    %get3A_291 = tpu.vector_load %arg6[%get3A_289, %get3A_290] {strides = array<i32>} : memref<8x128xf32, #tpu.memory_space<vmem>>, vector<1x16xf32>,
    %get3A_292 = vector.shape_cast %get3A_291 : vector<1x16xf32> to vector<16xf32>
    %mul3A_293 = vector.broadcast %convert_element_type3A_287 : f32 to vector<16xf32>
    %mul3A_294 = arith.mulf %get3A_292, %mul3A_293 : vector<16xf32>
    %add3A_295 = arith.addf %add3A_281, %mul3A_294 : vector<16xf32>
    %add3A_296 = arith.constant 4 : i32
    %add3A_297 = arith.addi %mul3A_2, %add3A_296 : i32
    %lt3A_298 = arith.constant 200 : i32
    %lt3A_299 = arith.cmpi slt, %add3A_297, %lt3A_298 : i32
    %convert_element_type3A_300 = arith.extui %lt3A_299 : i1 to i32
    %convert_element_type3A_301 = arith.sitofp %convert_element_type3A_300 : i32 to f32
    %get3A_302 = arith.constant 4 : i32
    %get3A_303 = arith.index_cast %get3A_302 : i32 to index
    %get3A_304 = arith.constant 32 : index
    %get3A_305 = tpu.vector_load %arg6[%get3A_303, %get3A_304] {strides = array<i32>} : memref<8x128xf32, #tpu.memory_space<vmem>>, vector<1x16xf32>,
    %get3A_306 = vector.shape_cast %get3A_305 : vector<1x16xf32> to vector<16xf32>
    %mul3A_307 = vector.broadcast %convert_element_type3A_301 : f32 to vector<16xf32>
    %mul3A_308 = arith.mulf %get3A_306, %mul3A_307 : vector<16xf32>
    %add3A_309 = arith.addf %add3A_295, %mul3A_308 : vector<16xf32>
    %add3A_310 = arith.constant 5 : i32
    %add3A_311 = arith.addi %mul3A_2, %add3A_310 : i32
    %lt3A_312 = arith.constant 200 : i32
    %lt3A_313 = arith.cmpi slt, %add3A_311, %lt3A_312 : i32
    %convert_element_type3A_314 = arith.extui %lt3A_313 : i1 to i32
    %convert_element_type3A_315 = arith.sitofp %convert_element_type3A_314 : i32 to f32
    %get3A_316 = arith.constant 5 : i32
    %get3A_317 = arith.index_cast %get3A_316 : i32 to index
    %get3A_318 = arith.constant 32 : index
    %get3A_319 = tpu.vector_load %arg6[%get3A_317, %get3A_318] {strides = array<i32>} : memref<8x128xf32, #tpu.memory_space<vmem>>, vector<1x16xf32>,
    %get3A_320 = vector.shape_cast %get3A_319 : vector<1x16xf32> to vector<16xf32>
    %mul3A_321 = vector.broadcast %convert_element_type3A_315 : f32 to vector<16xf32>
    %mul3A_322 = arith.mulf %get3A_320, %mul3A_321 : vector<16xf32>
    %add3A_323 = arith.addf %add3A_309, %mul3A_322 : vector<16xf32>
    %add3A_324 = arith.constant 6 : i32
    %add3A_325 = arith.addi %mul3A_2, %add3A_324 : i32
    %lt3A_326 = arith.constant 200 : i32
    %lt3A_327 = arith.cmpi slt, %add3A_325, %lt3A_326 : i32
    %convert_element_type3A_328 = arith.extui %lt3A_327 : i1 to i32
    %convert_element_type3A_329 = arith.sitofp %convert_element_type3A_328 : i32 to f32
    %get3A_330 = arith.constant 6 : i32
    %get3A_331 = arith.index_cast %get3A_330 : i32 to index
    %get3A_332 = arith.constant 32 : index
    %get3A_333 = tpu.vector_load %arg6[%get3A_331, %get3A_332] {strides = array<i32>} : memref<8x128xf32, #tpu.memory_space<vmem>>, vector<1x16xf32>,
    %get3A_334 = vector.shape_cast %get3A_333 : vector<1x16xf32> to vector<16xf32>
    %mul3A_335 = vector.broadcast %convert_element_type3A_329 : f32 to vector<16xf32>
    %mul3A_336 = arith.mulf %get3A_334, %mul3A_335 : vector<16xf32>
    %add3A_337 = arith.addf %add3A_323, %mul3A_336 : vector<16xf32>
    %add3A_338 = arith.constant 7 : i32
    %add3A_339 = arith.addi %mul3A_2, %add3A_338 : i32
    %lt3A_340 = arith.constant 200 : i32
    %lt3A_341 = arith.cmpi slt, %add3A_339, %lt3A_340 : i32
    %convert_element_type3A_342 = arith.extui %lt3A_341 : i1 to i32
    %convert_element_type3A_343 = arith.sitofp %convert_element_type3A_342 : i32 to f32
    %get3A_344 = arith.constant 7 : i32
    %get3A_345 = arith.index_cast %get3A_344 : i32 to index
    %get3A_346 = arith.constant 32 : index
    %get3A_347 = tpu.vector_load %arg6[%get3A_345, %get3A_346] {strides = array<i32>} : memref<8x128xf32, #tpu.memory_space<vmem>>, vector<1x16xf32>,
    %get3A_348 = vector.shape_cast %get3A_347 : vector<1x16xf32> to vector<16xf32>
    %mul3A_349 = vector.broadcast %convert_element_type3A_343 : f32 to vector<16xf32>
    %mul3A_350 = arith.mulf %get3A_348, %mul3A_349 : vector<16xf32>
    %add3A_351 = arith.addf %add3A_337, %mul3A_350 : vector<16xf32>
    %swap3A_352 = arith.constant 32 : index
    %swap3A_353 = tpu.vector_load %arg7[%swap3A_352] {strides = array<i32>} : memref<128xf32, #tpu.memory_space<vmem>>, vector<16xf32>,
    %swap3A_354 = vector.shape_cast %swap3A_353 : vector<16xf32> to vector<16xf32>
    %swap3A_355 = vector.shape_cast %add3A_351 : vector<16xf32> to vector<16xf32>
    tpu.vector_store %arg7[%swap3A_352], %swap3A_355 {strides = array<i32>} : memref<128xf32, #tpu.memory_space<vmem>>, vector<16xf32>,
    %broadcast_in_dim3A_356 = arith.constant 0.000000e+00 : f32
    %broadcast_in_dim3A_357 = vector.broadcast %broadcast_in_dim3A_356 : f32 to vector<16xf32>
    %add3A_358 = arith.constant 0 : i32
    %add3A_359 = arith.addi %mul3A_2, %add3A_358 : i32
    %lt3A_360 = arith.constant 200 : i32
    %lt3A_361 = arith.cmpi slt, %add3A_359, %lt3A_360 : i32
    %convert_element_type3A_362 = arith.extui %lt3A_361 : i1 to i32
    %convert_element_type3A_363 = arith.sitofp %convert_element_type3A_362 : i32 to f32
    %get3A_364 = arith.constant 0 : i32
    %get3A_365 = arith.index_cast %get3A_364 : i32 to index
    %get3A_366 = arith.constant 48 : index
    %get3A_367 = tpu.vector_load %arg6[%get3A_365, %get3A_366] {strides = array<i32>} : memref<8x128xf32, #tpu.memory_space<vmem>>, vector<1x16xf32>,
    %get3A_368 = vector.shape_cast %get3A_367 : vector<1x16xf32> to vector<16xf32>
    %mul3A_369 = vector.broadcast %convert_element_type3A_363 : f32 to vector<16xf32>
    %mul3A_370 = arith.mulf %get3A_368, %mul3A_369 : vector<16xf32>
    %add3A_371 = arith.addf %broadcast_in_dim3A_357, %mul3A_370 : vector<16xf32>
    %add3A_372 = arith.constant 1 : i32
    %add3A_373 = arith.addi %mul3A_2, %add3A_372 : i32
    %lt3A_374 = arith.constant 200 : i32
    %lt3A_375 = arith.cmpi slt, %add3A_373, %lt3A_374 : i32
    %convert_element_type3A_376 = arith.extui %lt3A_375 : i1 to i32
    %convert_element_type3A_377 = arith.sitofp %convert_element_type3A_376 : i32 to f32
    %get3A_378 = arith.constant 1 : i32
    %get3A_379 = arith.index_cast %get3A_378 : i32 to index
    %get3A_380 = arith.constant 48 : index
    %get3A_381 = tpu.vector_load %arg6[%get3A_379, %get3A_380] {strides = array<i32>} : memref<8x128xf32, #tpu.memory_space<vmem>>, vector<1x16xf32>,
    %get3A_382 = vector.shape_cast %get3A_381 : vector<1x16xf32> to vector<16xf32>
    %mul3A_383 = vector.broadcast %convert_element_type3A_377 : f32 to vector<16xf32>
    %mul3A_384 = arith.mulf %get3A_382, %mul3A_383 : vector<16xf32>
    %add3A_385 = arith.addf %add3A_371, %mul3A_384 : vector<16xf32>
    %add3A_386 = arith.constant 2 : i32
    %add3A_387 = arith.addi %mul3A_2, %add3A_386 : i32
    %lt3A_388 = arith.constant 200 : i32
    %lt3A_389 = arith.cmpi slt, %add3A_387, %lt3A_388 : i32
    %convert_element_type3A_390 = arith.extui %lt3A_389 : i1 to i32
    %convert_element_type3A_391 = arith.sitofp %convert_element_type3A_390 : i32 to f32
    %get3A_392 = arith.constant 2 : i32
    %get3A_393 = arith.index_cast %get3A_392 : i32 to index
    %get3A_394 = arith.constant 48 : index
    %get3A_395 = tpu.vector_load %arg6[%get3A_393, %get3A_394] {strides = array<i32>} : memref<8x128xf32, #tpu.memory_space<vmem>>, vector<1x16xf32>,
    %get3A_396 = vector.shape_cast %get3A_395 : vector<1x16xf32> to vector<16xf32>
    %mul3A_397 = vector.broadcast %convert_element_type3A_391 : f32 to vector<16xf32>
    %mul3A_398 = arith.mulf %get3A_396, %mul3A_397 : vector<16xf32>
    %add3A_399 = arith.addf %add3A_385, %mul3A_398 : vector<16xf32>
    %add3A_400 = arith.constant 3 : i32
    %add3A_401 = arith.addi %mul3A_2, %add3A_400 : i32
    %lt3A_402 = arith.constant 200 : i32
    %lt3A_403 = arith.cmpi slt, %add3A_401, %lt3A_402 : i32
    %convert_element_type3A_404 = arith.extui %lt3A_403 : i1 to i32
    %convert_element_type3A_405 = arith.sitofp %convert_element_type3A_404 : i32 to f32
    %get3A_406 = arith.constant 3 : i32
    %get3A_407 = arith.index_cast %get3A_406 : i32 to index
    %get3A_408 = arith.constant 48 : index
    %get3A_409 = tpu.vector_load %arg6[%get3A_407, %get3A_408] {strides = array<i32>} : memref<8x128xf32, #tpu.memory_space<vmem>>, vector<1x16xf32>,
    %get3A_410 = vector.shape_cast %get3A_409 : vector<1x16xf32> to vector<16xf32>
    %mul3A_411 = vector.broadcast %convert_element_type3A_405 : f32 to vector<16xf32>
    %mul3A_412 = arith.mulf %get3A_410, %mul3A_411 : vector<16xf32>
    %add3A_413 = arith.addf %add3A_399, %mul3A_412 : vector<16xf32>
    %add3A_414 = arith.constant 4 : i32
    %add3A_415 = arith.addi %mul3A_2, %add3A_414 : i32
    %lt3A_416 = arith.constant 200 : i32
    %lt3A_417 = arith.cmpi slt, %add3A_415, %lt3A_416 : i32
    %convert_element_type3A_418 = arith.extui %lt3A_417 : i1 to i32
    %convert_element_type3A_419 = arith.sitofp %convert_element_type3A_418 : i32 to f32
    %get3A_420 = arith.constant 4 : i32
    %get3A_421 = arith.index_cast %get3A_420 : i32 to index
    %get3A_422 = arith.constant 48 : index
    %get3A_423 = tpu.vector_load %arg6[%get3A_421, %get3A_422] {strides = array<i32>} : memref<8x128xf32, #tpu.memory_space<vmem>>, vector<1x16xf32>,
    %get3A_424 = vector.shape_cast %get3A_423 : vector<1x16xf32> to vector<16xf32>
    %mul3A_425 = vector.broadcast %convert_element_type3A_419 : f32 to vector<16xf32>
    %mul3A_426 = arith.mulf %get3A_424, %mul3A_425 : vector<16xf32>
    %add3A_427 = arith.addf %add3A_413, %mul3A_426 : vector<16xf32>
    %add3A_428 = arith.constant 5 : i32
    %add3A_429 = arith.addi %mul3A_2, %add3A_428 : i32
    %lt3A_430 = arith.constant 200 : i32
    %lt3A_431 = arith.cmpi slt, %add3A_429, %lt3A_430 : i32
    %convert_element_type3A_432 = arith.extui %lt3A_431 : i1 to i32
    %convert_element_type3A_433 = arith.sitofp %convert_element_type3A_432 : i32 to f32
    %get3A_434 = arith.constant 5 : i32
    %get3A_435 = arith.index_cast %get3A_434 : i32 to index
    %get3A_436 = arith.constant 48 : index
    %get3A_437 = tpu.vector_load %arg6[%get3A_435, %get3A_436] {strides = array<i32>} : memref<8x128xf32, #tpu.memory_space<vmem>>, vector<1x16xf32>,
    %get3A_438 = vector.shape_cast %get3A_437 : vector<1x16xf32> to vector<16xf32>
    %mul3A_439 = vector.broadcast %convert_element_type3A_433 : f32 to vector<16xf32>
    %mul3A_440 = arith.mulf %get3A_438, %mul3A_439 : vector<16xf32>
    %add3A_441 = arith.addf %add3A_427, %mul3A_440 : vector<16xf32>
    %add3A_442 = arith.constant 6 : i32
    %add3A_443 = arith.addi %mul3A_2, %add3A_442 : i32
    %lt3A_444 = arith.constant 200 : i32
    %lt3A_445 = arith.cmpi slt, %add3A_443, %lt3A_444 : i32
    %convert_element_type3A_446 = arith.extui %lt3A_445 : i1 to i32
    %convert_element_type3A_447 = arith.sitofp %convert_element_type3A_446 : i32 to f32
    %get3A_448 = arith.constant 6 : i32
    %get3A_449 = arith.index_cast %get3A_448 : i32 to index
    %get3A_450 = arith.constant 48 : index
    %get3A_451 = tpu.vector_load %arg6[%get3A_449, %get3A_450] {strides = array<i32>} : memref<8x128xf32, #tpu.memory_space<vmem>>, vector<1x16xf32>,
    %get3A_452 = vector.shape_cast %get3A_451 : vector<1x16xf32> to vector<16xf32>
    %mul3A_453 = vector.broadcast %convert_element_type3A_447 : f32 to vector<16xf32>
    %mul3A_454 = arith.mulf %get3A_452, %mul3A_453 : vector<16xf32>
    %add3A_455 = arith.addf %add3A_441, %mul3A_454 : vector<16xf32>
    %add3A_456 = arith.constant 7 : i32
    %add3A_457 = arith.addi %mul3A_2, %add3A_456 : i32
    %lt3A_458 = arith.constant 200 : i32
    %lt3A_459 = arith.cmpi slt, %add3A_457, %lt3A_458 : i32
    %convert_element_type3A_460 = arith.extui %lt3A_459 : i1 to i32
    %convert_element_type3A_461 = arith.sitofp %convert_element_type3A_460 : i32 to f32
    %get3A_462 = arith.constant 7 : i32
    %get3A_463 = arith.index_cast %get3A_462 : i32 to index
    %get3A_464 = arith.constant 48 : index
    %get3A_465 = tpu.vector_load %arg6[%get3A_463, %get3A_464] {strides = array<i32>} : memref<8x128xf32, #tpu.memory_space<vmem>>, vector<1x16xf32>,
    %get3A_466 = vector.shape_cast %get3A_465 : vector<1x16xf32> to vector<16xf32>
    %mul3A_467 = vector.broadcast %convert_element_type3A_461 : f32 to vector<16xf32>
    %mul3A_468 = arith.mulf %get3A_466, %mul3A_467 : vector<16xf32>
    %add3A_469 = arith.addf %add3A_455, %mul3A_468 : vector<16xf32>
    %swap3A_470 = arith.constant 48 : index
    %swap3A_471 = tpu.vector_load %arg7[%swap3A_470] {strides = array<i32>} : memref<128xf32, #tpu.memory_space<vmem>>, vector<16xf32>,
    %swap3A_472 = vector.shape_cast %swap3A_471 : vector<16xf32> to vector<16xf32>
    %swap3A_473 = vector.shape_cast %add3A_469 : vector<16xf32> to vector<16xf32>
    tpu.vector_store %arg7[%swap3A_470], %swap3A_473 {strides = array<i32>} : memref<128xf32, #tpu.memory_space<vmem>>, vector<16xf32>,
    %broadcast_in_dim3A_474 = arith.constant 0.000000e+00 : f32
    %broadcast_in_dim3A_475 = vector.broadcast %broadcast_in_dim3A_474 : f32 to vector<16xf32>
    %add3A_476 = arith.constant 0 : i32
    %add3A_477 = arith.addi %mul3A_2, %add3A_476 : i32
    %lt3A_478 = arith.constant 200 : i32
    %lt3A_479 = arith.cmpi slt, %add3A_477, %lt3A_478 : i32
    %convert_element_type3A_480 = arith.extui %lt3A_479 : i1 to i32
    %convert_element_type3A_481 = arith.sitofp %convert_element_type3A_480 : i32 to f32
    %get3A_482 = arith.constant 0 : i32
    %get3A_483 = arith.index_cast %get3A_482 : i32 to index
    %get3A_484 = arith.constant 64 : index
    %get3A_485 = tpu.vector_load %arg6[%get3A_483, %get3A_484] {strides = array<i32>} : memref<8x128xf32, #tpu.memory_space<vmem>>, vector<1x16xf32>,
    %get3A_486 = vector.shape_cast %get3A_485 : vector<1x16xf32> to vector<16xf32>
    %mul3A_487 = vector.broadcast %convert_element_type3A_481 : f32 to vector<16xf32>
    %mul3A_488 = arith.mulf %get3A_486, %mul3A_487 : vector<16xf32>
    %add3A_489 = arith.addf %broadcast_in_dim3A_475, %mul3A_488 : vector<16xf32>
    %add3A_490 = arith.constant 1 : i32
    %add3A_491 = arith.addi %mul3A_2, %add3A_490 : i32
    %lt3A_492 = arith.constant 200 : i32
    %lt3A_493 = arith.cmpi slt, %add3A_491, %lt3A_492 : i32
    %convert_element_type3A_494 = arith.extui %lt3A_493 : i1 to i32
    %convert_element_type3A_495 = arith.sitofp %convert_element_type3A_494 : i32 to f32
    %get3A_496 = arith.constant 1 : i32
    %get3A_497 = arith.index_cast %get3A_496 : i32 to index
    %get3A_498 = arith.constant 64 : index
    %get3A_499 = tpu.vector_load %arg6[%get3A_497, %get3A_498] {strides = array<i32>} : memref<8x128xf32, #tpu.memory_space<vmem>>, vector<1x16xf32>,
    %get3A_500 = vector.shape_cast %get3A_499 : vector<1x16xf32> to vector<16xf32>
    %mul3A_501 = vector.broadcast %convert_element_type3A_495 : f32 to vector<16xf32>
    %mul3A_502 = arith.mulf %get3A_500, %mul3A_501 : vector<16xf32>
    %add3A_503 = arith.addf %add3A_489, %mul3A_502 : vector<16xf32>
    %add3A_504 = arith.constant 2 : i32
    %add3A_505 = arith.addi %mul3A_2, %add3A_504 : i32
    %lt3A_506 = arith.constant 200 : i32
    %lt3A_507 = arith.cmpi slt, %add3A_505, %lt3A_506 : i32
    %convert_element_type3A_508 = arith.extui %lt3A_507 : i1 to i32
    %convert_element_type3A_509 = arith.sitofp %convert_element_type3A_508 : i32 to f32
    %get3A_510 = arith.constant 2 : i32
    %get3A_511 = arith.index_cast %get3A_510 : i32 to index
    %get3A_512 = arith.constant 64 : index
    %get3A_513 = tpu.vector_load %arg6[%get3A_511, %get3A_512] {strides = array<i32>} : memref<8x128xf32, #tpu.memory_space<vmem>>, vector<1x16xf32>,
    %get3A_514 = vector.shape_cast %get3A_513 : vector<1x16xf32> to vector<16xf32>
    %mul3A_515 = vector.broadcast %convert_element_type3A_509 : f32 to vector<16xf32>
    %mul3A_516 = arith.mulf %get3A_514, %mul3A_515 : vector<16xf32>
    %add3A_517 = arith.addf %add3A_503, %mul3A_516 : vector<16xf32>
    %add3A_518 = arith.constant 3 : i32
    %add3A_519 = arith.addi %mul3A_2, %add3A_518 : i32
    %lt3A_520 = arith.constant 200 : i32
    %lt3A_521 = arith.cmpi slt, %add3A_519, %lt3A_520 : i32
    %convert_element_type3A_522 = arith.extui %lt3A_521 : i1 to i32
    %convert_element_type3A_523 = arith.sitofp %convert_element_type3A_522 : i32 to f32
    %get3A_524 = arith.constant 3 : i32
    %get3A_525 = arith.index_cast %get3A_524 : i32 to index
    %get3A_526 = arith.constant 64 : index
    %get3A_527 = tpu.vector_load %arg6[%get3A_525, %get3A_526] {strides = array<i32>} : memref<8x128xf32, #tpu.memory_space<vmem>>, vector<1x16xf32>,
    %get3A_528 = vector.shape_cast %get3A_527 : vector<1x16xf32> to vector<16xf32>
    %mul3A_529 = vector.broadcast %convert_element_type3A_523 : f32 to vector<16xf32>
    %mul3A_530 = arith.mulf %get3A_528, %mul3A_529 : vector<16xf32>
    %add3A_531 = arith.addf %add3A_517, %mul3A_530 : vector<16xf32>
    %add3A_532 = arith.constant 4 : i32
    %add3A_533 = arith.addi %mul3A_2, %add3A_532 : i32
    %lt3A_534 = arith.constant 200 : i32
    %lt3A_535 = arith.cmpi slt, %add3A_533, %lt3A_534 : i32
    %convert_element_type3A_536 = arith.extui %lt3A_535 : i1 to i32
    %convert_element_type3A_537 = arith.sitofp %convert_element_type3A_536 : i32 to f32
    %get3A_538 = arith.constant 4 : i32
    %get3A_539 = arith.index_cast %get3A_538 : i32 to index
    %get3A_540 = arith.constant 64 : index
    %get3A_541 = tpu.vector_load %arg6[%get3A_539, %get3A_540] {strides = array<i32>} : memref<8x128xf32, #tpu.memory_space<vmem>>, vector<1x16xf32>,
    %get3A_542 = vector.shape_cast %get3A_541 : vector<1x16xf32> to vector<16xf32>
    %mul3A_543 = vector.broadcast %convert_element_type3A_537 : f32 to vector<16xf32>
    %mul3A_544 = arith.mulf %get3A_542, %mul3A_543 : vector<16xf32>
    %add3A_545 = arith.addf %add3A_531, %mul3A_544 : vector<16xf32>
    %add3A_546 = arith.constant 5 : i32
    %add3A_547 = arith.addi %mul3A_2, %add3A_546 : i32
    %lt3A_548 = arith.constant 200 : i32
    %lt3A_549 = arith.cmpi slt, %add3A_547, %lt3A_548 : i32
    %convert_element_type3A_550 = arith.extui %lt3A_549 : i1 to i32
    %convert_element_type3A_551 = arith.sitofp %convert_element_type3A_550 : i32 to f32
    %get3A_552 = arith.constant 5 : i32
    %get3A_553 = arith.index_cast %get3A_552 : i32 to index
    %get3A_554 = arith.constant 64 : index
    %get3A_555 = tpu.vector_load %arg6[%get3A_553, %get3A_554] {strides = array<i32>} : memref<8x128xf32, #tpu.memory_space<vmem>>, vector<1x16xf32>,
    %get3A_556 = vector.shape_cast %get3A_555 : vector<1x16xf32> to vector<16xf32>
    %mul3A_557 = vector.broadcast %convert_element_type3A_551 : f32 to vector<16xf32>
    %mul3A_558 = arith.mulf %get3A_556, %mul3A_557 : vector<16xf32>
    %add3A_559 = arith.addf %add3A_545, %mul3A_558 : vector<16xf32>
    %add3A_560 = arith.constant 6 : i32
    %add3A_561 = arith.addi %mul3A_2, %add3A_560 : i32
    %lt3A_562 = arith.constant 200 : i32
    %lt3A_563 = arith.cmpi slt, %add3A_561, %lt3A_562 : i32
    %convert_element_type3A_564 = arith.extui %lt3A_563 : i1 to i32
    %convert_element_type3A_565 = arith.sitofp %convert_element_type3A_564 : i32 to f32
    %get3A_566 = arith.constant 6 : i32
    %get3A_567 = arith.index_cast %get3A_566 : i32 to index
    %get3A_568 = arith.constant 64 : index
    %get3A_569 = tpu.vector_load %arg6[%get3A_567, %get3A_568] {strides = array<i32>} : memref<8x128xf32, #tpu.memory_space<vmem>>, vector<1x16xf32>,
    %get3A_570 = vector.shape_cast %get3A_569 : vector<1x16xf32> to vector<16xf32>
    %mul3A_571 = vector.broadcast %convert_element_type3A_565 : f32 to vector<16xf32>
    %mul3A_572 = arith.mulf %get3A_570, %mul3A_571 : vector<16xf32>
    %add3A_573 = arith.addf %add3A_559, %mul3A_572 : vector<16xf32>
    %add3A_574 = arith.constant 7 : i32
    %add3A_575 = arith.addi %mul3A_2, %add3A_574 : i32
    %lt3A_576 = arith.constant 200 : i32
    %lt3A_577 = arith.cmpi slt, %add3A_575, %lt3A_576 : i32
    %convert_element_type3A_578 = arith.extui %lt3A_577 : i1 to i32
    %convert_element_type3A_579 = arith.sitofp %convert_element_type3A_578 : i32 to f32
    %get3A_580 = arith.constant 7 : i32
    %get3A_581 = arith.index_cast %get3A_580 : i32 to index
    %get3A_582 = arith.constant 64 : index
    %get3A_583 = tpu.vector_load %arg6[%get3A_581, %get3A_582] {strides = array<i32>} : memref<8x128xf32, #tpu.memory_space<vmem>>, vector<1x16xf32>,
    %get3A_584 = vector.shape_cast %get3A_583 : vector<1x16xf32> to vector<16xf32>
    %mul3A_585 = vector.broadcast %convert_element_type3A_579 : f32 to vector<16xf32>
    %mul3A_586 = arith.mulf %get3A_584, %mul3A_585 : vector<16xf32>
    %add3A_587 = arith.addf %add3A_573, %mul3A_586 : vector<16xf32>
    %swap3A_588 = arith.constant 64 : index
    %swap3A_589 = tpu.vector_load %arg7[%swap3A_588] {strides = array<i32>} : memref<128xf32, #tpu.memory_space<vmem>>, vector<16xf32>,
    %swap3A_590 = vector.shape_cast %swap3A_589 : vector<16xf32> to vector<16xf32>
    %swap3A_591 = vector.shape_cast %add3A_587 : vector<16xf32> to vector<16xf32>
    tpu.vector_store %arg7[%swap3A_588], %swap3A_591 {strides = array<i32>} : memref<128xf32, #tpu.memory_space<vmem>>, vector<16xf32>,
    %broadcast_in_dim3A_592 = arith.constant 0.000000e+00 : f32
    %broadcast_in_dim3A_593 = vector.broadcast %broadcast_in_dim3A_592 : f32 to vector<16xf32>
    %add3A_594 = arith.constant 0 : i32
    %add3A_595 = arith.addi %mul3A_2, %add3A_594 : i32
    %lt3A_596 = arith.constant 200 : i32
    %lt3A_597 = arith.cmpi slt, %add3A_595, %lt3A_596 : i32
    %convert_element_type3A_598 = arith.extui %lt3A_597 : i1 to i32
    %convert_element_type3A_599 = arith.sitofp %convert_element_type3A_598 : i32 to f32
    %get3A_600 = arith.constant 0 : i32
    %get3A_601 = arith.index_cast %get3A_600 : i32 to index
    %get3A_602 = arith.constant 80 : index
    %get3A_603 = tpu.vector_load %arg6[%get3A_601, %get3A_602] {strides = array<i32>} : memref<8x128xf32, #tpu.memory_space<vmem>>, vector<1x16xf32>,
    %get3A_604 = vector.shape_cast %get3A_603 : vector<1x16xf32> to vector<16xf32>
    %mul3A_605 = vector.broadcast %convert_element_type3A_599 : f32 to vector<16xf32>
    %mul3A_606 = arith.mulf %get3A_604, %mul3A_605 : vector<16xf32>
    %add3A_607 = arith.addf %broadcast_in_dim3A_593, %mul3A_606 : vector<16xf32>
    %add3A_608 = arith.constant 1 : i32
    %add3A_609 = arith.addi %mul3A_2, %add3A_608 : i32
    %lt3A_610 = arith.constant 200 : i32
    %lt3A_611 = arith.cmpi slt, %add3A_609, %lt3A_610 : i32
    %convert_element_type3A_612 = arith.extui %lt3A_611 : i1 to i32
    %convert_element_type3A_613 = arith.sitofp %convert_element_type3A_612 : i32 to f32
    %get3A_614 = arith.constant 1 : i32
    %get3A_615 = arith.index_cast %get3A_614 : i32 to index
    %get3A_616 = arith.constant 80 : index
    %get3A_617 = tpu.vector_load %arg6[%get3A_615, %get3A_616] {strides = array<i32>} : memref<8x128xf32, #tpu.memory_space<vmem>>, vector<1x16xf32>,
    %get3A_618 = vector.shape_cast %get3A_617 : vector<1x16xf32> to vector<16xf32>
    %mul3A_619 = vector.broadcast %convert_element_type3A_613 : f32 to vector<16xf32>
    %mul3A_620 = arith.mulf %get3A_618, %mul3A_619 : vector<16xf32>
    %add3A_621 = arith.addf %add3A_607, %mul3A_620 : vector<16xf32>
    %add3A_622 = arith.constant 2 : i32
    %add3A_623 = arith.addi %mul3A_2, %add3A_622 : i32
    %lt3A_624 = arith.constant 200 : i32
    %lt3A_625 = arith.cmpi slt, %add3A_623, %lt3A_624 : i32
    %convert_element_type3A_626 = arith.extui %lt3A_625 : i1 to i32
    %convert_element_type3A_627 = arith.sitofp %convert_element_type3A_626 : i32 to f32
    %get3A_628 = arith.constant 2 : i32
    %get3A_629 = arith.index_cast %get3A_628 : i32 to index
    %get3A_630 = arith.constant 80 : index
    %get3A_631 = tpu.vector_load %arg6[%get3A_629, %get3A_630] {strides = array<i32>} : memref<8x128xf32, #tpu.memory_space<vmem>>, vector<1x16xf32>,
    %get3A_632 = vector.shape_cast %get3A_631 : vector<1x16xf32> to vector<16xf32>
    %mul3A_633 = vector.broadcast %convert_element_type3A_627 : f32 to vector<16xf32>
    %mul3A_634 = arith.mulf %get3A_632, %mul3A_633 : vector<16xf32>
    %add3A_635 = arith.addf %add3A_621, %mul3A_634 : vector<16xf32>
    %add3A_636 = arith.constant 3 : i32
    %add3A_637 = arith.addi %mul3A_2, %add3A_636 : i32
    %lt3A_638 = arith.constant 200 : i32
    %lt3A_639 = arith.cmpi slt, %add3A_637, %lt3A_638 : i32
    %convert_element_type3A_640 = arith.extui %lt3A_639 : i1 to i32
    %convert_element_type3A_641 = arith.sitofp %convert_element_type3A_640 : i32 to f32
    %get3A_642 = arith.constant 3 : i32
    %get3A_643 = arith.index_cast %get3A_642 : i32 to index
    %get3A_644 = arith.constant 80 : index
    %get3A_645 = tpu.vector_load %arg6[%get3A_643, %get3A_644] {strides = array<i32>} : memref<8x128xf32, #tpu.memory_space<vmem>>, vector<1x16xf32>,
    %get3A_646 = vector.shape_cast %get3A_645 : vector<1x16xf32> to vector<16xf32>
    %mul3A_647 = vector.broadcast %convert_element_type3A_641 : f32 to vector<16xf32>
    %mul3A_648 = arith.mulf %get3A_646, %mul3A_647 : vector<16xf32>
    %add3A_649 = arith.addf %add3A_635, %mul3A_648 : vector<16xf32>
    %add3A_650 = arith.constant 4 : i32
    %add3A_651 = arith.addi %mul3A_2, %add3A_650 : i32
    %lt3A_652 = arith.constant 200 : i32
    %lt3A_653 = arith.cmpi slt, %add3A_651, %lt3A_652 : i32
    %convert_element_type3A_654 = arith.extui %lt3A_653 : i1 to i32
    %convert_element_type3A_655 = arith.sitofp %convert_element_type3A_654 : i32 to f32
    %get3A_656 = arith.constant 4 : i32
    %get3A_657 = arith.index_cast %get3A_656 : i32 to index
    %get3A_658 = arith.constant 80 : index
    %get3A_659 = tpu.vector_load %arg6[%get3A_657, %get3A_658] {strides = array<i32>} : memref<8x128xf32, #tpu.memory_space<vmem>>, vector<1x16xf32>,
    %get3A_660 = vector.shape_cast %get3A_659 : vector<1x16xf32> to vector<16xf32>
    %mul3A_661 = vector.broadcast %convert_element_type3A_655 : f32 to vector<16xf32>
    %mul3A_662 = arith.mulf %get3A_660, %mul3A_661 : vector<16xf32>
    %add3A_663 = arith.addf %add3A_649, %mul3A_662 : vector<16xf32>
    %add3A_664 = arith.constant 5 : i32
    %add3A_665 = arith.addi %mul3A_2, %add3A_664 : i32
    %lt3A_666 = arith.constant 200 : i32
    %lt3A_667 = arith.cmpi slt, %add3A_665, %lt3A_666 : i32
    %convert_element_type3A_668 = arith.extui %lt3A_667 : i1 to i32
    %convert_element_type3A_669 = arith.sitofp %convert_element_type3A_668 : i32 to f32
    %get3A_670 = arith.constant 5 : i32
    %get3A_671 = arith.index_cast %get3A_670 : i32 to index
    %get3A_672 = arith.constant 80 : index
    %get3A_673 = tpu.vector_load %arg6[%get3A_671, %get3A_672] {strides = array<i32>} : memref<8x128xf32, #tpu.memory_space<vmem>>, vector<1x16xf32>,
    %get3A_674 = vector.shape_cast %get3A_673 : vector<1x16xf32> to vector<16xf32>
    %mul3A_675 = vector.broadcast %convert_element_type3A_669 : f32 to vector<16xf32>
    %mul3A_676 = arith.mulf %get3A_674, %mul3A_675 : vector<16xf32>
    %add3A_677 = arith.addf %add3A_663, %mul3A_676 : vector<16xf32>
    %add3A_678 = arith.constant 6 : i32
    %add3A_679 = arith.addi %mul3A_2, %add3A_678 : i32
    %lt3A_680 = arith.constant 200 : i32
    %lt3A_681 = arith.cmpi slt, %add3A_679, %lt3A_680 : i32
    %convert_element_type3A_682 = arith.extui %lt3A_681 : i1 to i32
    %convert_element_type3A_683 = arith.sitofp %convert_element_type3A_682 : i32 to f32
    %get3A_684 = arith.constant 6 : i32
    %get3A_685 = arith.index_cast %get3A_684 : i32 to index
    %get3A_686 = arith.constant 80 : index
    %get3A_687 = tpu.vector_load %arg6[%get3A_685, %get3A_686] {strides = array<i32>} : memref<8x128xf32, #tpu.memory_space<vmem>>, vector<1x16xf32>,
    %get3A_688 = vector.shape_cast %get3A_687 : vector<1x16xf32> to vector<16xf32>
    %mul3A_689 = vector.broadcast %convert_element_type3A_683 : f32 to vector<16xf32>
    %mul3A_690 = arith.mulf %get3A_688, %mul3A_689 : vector<16xf32>
    %add3A_691 = arith.addf %add3A_677, %mul3A_690 : vector<16xf32>
    %add3A_692 = arith.constant 7 : i32
    %add3A_693 = arith.addi %mul3A_2, %add3A_692 : i32
    %lt3A_694 = arith.constant 200 : i32
    %lt3A_695 = arith.cmpi slt, %add3A_693, %lt3A_694 : i32
    %convert_element_type3A_696 = arith.extui %lt3A_695 : i1 to i32
    %convert_element_type3A_697 = arith.sitofp %convert_element_type3A_696 : i32 to f32
    %get3A_698 = arith.constant 7 : i32
    %get3A_699 = arith.index_cast %get3A_698 : i32 to index
    %get3A_700 = arith.constant 80 : index
    %get3A_701 = tpu.vector_load %arg6[%get3A_699, %get3A_700] {strides = array<i32>} : memref<8x128xf32, #tpu.memory_space<vmem>>, vector<1x16xf32>,
    %get3A_702 = vector.shape_cast %get3A_701 : vector<1x16xf32> to vector<16xf32>
    %mul3A_703 = vector.broadcast %convert_element_type3A_697 : f32 to vector<16xf32>
    %mul3A_704 = arith.mulf %get3A_702, %mul3A_703 : vector<16xf32>
    %add3A_705 = arith.addf %add3A_691, %mul3A_704 : vector<16xf32>
    %swap3A_706 = arith.constant 80 : index
    %swap3A_707 = tpu.vector_load %arg7[%swap3A_706] {strides = array<i32>} : memref<128xf32, #tpu.memory_space<vmem>>, vector<16xf32>,
    %swap3A_708 = vector.shape_cast %swap3A_707 : vector<16xf32> to vector<16xf32>
    %swap3A_709 = vector.shape_cast %add3A_705 : vector<16xf32> to vector<16xf32>
    tpu.vector_store %arg7[%swap3A_706], %swap3A_709 {strides = array<i32>} : memref<128xf32, #tpu.memory_space<vmem>>, vector<16xf32>,
    %broadcast_in_dim3A_710 = arith.constant 0.000000e+00 : f32
    %broadcast_in_dim3A_711 = vector.broadcast %broadcast_in_dim3A_710 : f32 to vector<16xf32>
    %add3A_712 = arith.constant 0 : i32
    %add3A_713 = arith.addi %mul3A_2, %add3A_712 : i32
    %lt3A_714 = arith.constant 200 : i32
    %lt3A_715 = arith.cmpi slt, %add3A_713, %lt3A_714 : i32
    %convert_element_type3A_716 = arith.extui %lt3A_715 : i1 to i32
    %convert_element_type3A_717 = arith.sitofp %convert_element_type3A_716 : i32 to f32
    %get3A_718 = arith.constant 0 : i32
    %get3A_719 = arith.index_cast %get3A_718 : i32 to index
    %get3A_720 = arith.constant 96 : index
    %get3A_721 = tpu.vector_load %arg6[%get3A_719, %get3A_720] {strides = array<i32>} : memref<8x128xf32, #tpu.memory_space<vmem>>, vector<1x16xf32>,
    %get3A_722 = vector.shape_cast %get3A_721 : vector<1x16xf32> to vector<16xf32>
    %mul3A_723 = vector.broadcast %convert_element_type3A_717 : f32 to vector<16xf32>
    %mul3A_724 = arith.mulf %get3A_722, %mul3A_723 : vector<16xf32>
    %add3A_725 = arith.addf %broadcast_in_dim3A_711, %mul3A_724 : vector<16xf32>
    %add3A_726 = arith.constant 1 : i32
    %add3A_727 = arith.addi %mul3A_2, %add3A_726 : i32
    %lt3A_728 = arith.constant 200 : i32
    %lt3A_729 = arith.cmpi slt, %add3A_727, %lt3A_728 : i32
    %convert_element_type3A_730 = arith.extui %lt3A_729 : i1 to i32
    %convert_element_type3A_731 = arith.sitofp %convert_element_type3A_730 : i32 to f32
    %get3A_732 = arith.constant 1 : i32
    %get3A_733 = arith.index_cast %get3A_732 : i32 to index
    %get3A_734 = arith.constant 96 : index
    %get3A_735 = tpu.vector_load %arg6[%get3A_733, %get3A_734] {strides = array<i32>} : memref<8x128xf32, #tpu.memory_space<vmem>>, vector<1x16xf32>,
    %get3A_736 = vector.shape_cast %get3A_735 : vector<1x16xf32> to vector<16xf32>
    %mul3A_737 = vector.broadcast %convert_element_type3A_731 : f32 to vector<16xf32>
    %mul3A_738 = arith.mulf %get3A_736, %mul3A_737 : vector<16xf32>
    %add3A_739 = arith.addf %add3A_725, %mul3A_738 : vector<16xf32>
    %add3A_740 = arith.constant 2 : i32
    %add3A_741 = arith.addi %mul3A_2, %add3A_740 : i32
    %lt3A_742 = arith.constant 200 : i32
    %lt3A_743 = arith.cmpi slt, %add3A_741, %lt3A_742 : i32
    %convert_element_type3A_744 = arith.extui %lt3A_743 : i1 to i32
    %convert_element_type3A_745 = arith.sitofp %convert_element_type3A_744 : i32 to f32
    %get3A_746 = arith.constant 2 : i32
    %get3A_747 = arith.index_cast %get3A_746 : i32 to index
    %get3A_748 = arith.constant 96 : index
    %get3A_749 = tpu.vector_load %arg6[%get3A_747, %get3A_748] {strides = array<i32>} : memref<8x128xf32, #tpu.memory_space<vmem>>, vector<1x16xf32>,
    %get3A_750 = vector.shape_cast %get3A_749 : vector<1x16xf32> to vector<16xf32>
    %mul3A_751 = vector.broadcast %convert_element_type3A_745 : f32 to vector<16xf32>
    %mul3A_752 = arith.mulf %get3A_750, %mul3A_751 : vector<16xf32>
    %add3A_753 = arith.addf %add3A_739, %mul3A_752 : vector<16xf32>
    %add3A_754 = arith.constant 3 : i32
    %add3A_755 = arith.addi %mul3A_2, %add3A_754 : i32
    %lt3A_756 = arith.constant 200 : i32
    %lt3A_757 = arith.cmpi slt, %add3A_755, %lt3A_756 : i32
    %convert_element_type3A_758 = arith.extui %lt3A_757 : i1 to i32
    %convert_element_type3A_759 = arith.sitofp %convert_element_type3A_758 : i32 to f32
    %get3A_760 = arith.constant 3 : i32
    %get3A_761 = arith.index_cast %get3A_760 : i32 to index
    %get3A_762 = arith.constant 96 : index
    %get3A_763 = tpu.vector_load %arg6[%get3A_761, %get3A_762] {strides = array<i32>} : memref<8x128xf32, #tpu.memory_space<vmem>>, vector<1x16xf32>,
    %get3A_764 = vector.shape_cast %get3A_763 : vector<1x16xf32> to vector<16xf32>
    %mul3A_765 = vector.broadcast %convert_element_type3A_759 : f32 to vector<16xf32>
    %mul3A_766 = arith.mulf %get3A_764, %mul3A_765 : vector<16xf32>
    %add3A_767 = arith.addf %add3A_753, %mul3A_766 : vector<16xf32>
    %add3A_768 = arith.constant 4 : i32
    %add3A_769 = arith.addi %mul3A_2, %add3A_768 : i32
    %lt3A_770 = arith.constant 200 : i32
    %lt3A_771 = arith.cmpi slt, %add3A_769, %lt3A_770 : i32
    %convert_element_type3A_772 = arith.extui %lt3A_771 : i1 to i32
    %convert_element_type3A_773 = arith.sitofp %convert_element_type3A_772 : i32 to f32
    %get3A_774 = arith.constant 4 : i32
    %get3A_775 = arith.index_cast %get3A_774 : i32 to index
    %get3A_776 = arith.constant 96 : index
    %get3A_777 = tpu.vector_load %arg6[%get3A_775, %get3A_776] {strides = array<i32>} : memref<8x128xf32, #tpu.memory_space<vmem>>, vector<1x16xf32>,
    %get3A_778 = vector.shape_cast %get3A_777 : vector<1x16xf32> to vector<16xf32>
    %mul3A_779 = vector.broadcast %convert_element_type3A_773 : f32 to vector<16xf32>
    %mul3A_780 = arith.mulf %get3A_778, %mul3A_779 : vector<16xf32>
    %add3A_781 = arith.addf %add3A_767, %mul3A_780 : vector<16xf32>
    %add3A_782 = arith.constant 5 : i32
    %add3A_783 = arith.addi %mul3A_2, %add3A_782 : i32
    %lt3A_784 = arith.constant 200 : i32
    %lt3A_785 = arith.cmpi slt, %add3A_783, %lt3A_784 : i32
    %convert_element_type3A_786 = arith.extui %lt3A_785 : i1 to i32
    %convert_element_type3A_787 = arith.sitofp %convert_element_type3A_786 : i32 to f32
    %get3A_788 = arith.constant 5 : i32
    %get3A_789 = arith.index_cast %get3A_788 : i32 to index
    %get3A_790 = arith.constant 96 : index
    %get3A_791 = tpu.vector_load %arg6[%get3A_789, %get3A_790] {strides = array<i32>} : memref<8x128xf32, #tpu.memory_space<vmem>>, vector<1x16xf32>,
    %get3A_792 = vector.shape_cast %get3A_791 : vector<1x16xf32> to vector<16xf32>
    %mul3A_793 = vector.broadcast %convert_element_type3A_787 : f32 to vector<16xf32>
    %mul3A_794 = arith.mulf %get3A_792, %mul3A_793 : vector<16xf32>
    %add3A_795 = arith.addf %add3A_781, %mul3A_794 : vector<16xf32>
    %add3A_796 = arith.constant 6 : i32
    %add3A_797 = arith.addi %mul3A_2, %add3A_796 : i32
    %lt3A_798 = arith.constant 200 : i32
    %lt3A_799 = arith.cmpi slt, %add3A_797, %lt3A_798 : i32
    %convert_element_type3A_800 = arith.extui %lt3A_799 : i1 to i32
    %convert_element_type3A_801 = arith.sitofp %convert_element_type3A_800 : i32 to f32
    %get3A_802 = arith.constant 6 : i32
    %get3A_803 = arith.index_cast %get3A_802 : i32 to index
    %get3A_804 = arith.constant 96 : index
    %get3A_805 = tpu.vector_load %arg6[%get3A_803, %get3A_804] {strides = array<i32>} : memref<8x128xf32, #tpu.memory_space<vmem>>, vector<1x16xf32>,
    %get3A_806 = vector.shape_cast %get3A_805 : vector<1x16xf32> to vector<16xf32>
    %mul3A_807 = vector.broadcast %convert_element_type3A_801 : f32 to vector<16xf32>
    %mul3A_808 = arith.mulf %get3A_806, %mul3A_807 : vector<16xf32>
    %add3A_809 = arith.addf %add3A_795, %mul3A_808 : vector<16xf32>
    %add3A_810 = arith.constant 7 : i32
    %add3A_811 = arith.addi %mul3A_2, %add3A_810 : i32
    %lt3A_812 = arith.constant 200 : i32
    %lt3A_813 = arith.cmpi slt, %add3A_811, %lt3A_812 : i32
    %convert_element_type3A_814 = arith.extui %lt3A_813 : i1 to i32
    %convert_element_type3A_815 = arith.sitofp %convert_element_type3A_814 : i32 to f32
    %get3A_816 = arith.constant 7 : i32
    %get3A_817 = arith.index_cast %get3A_816 : i32 to index
    %get3A_818 = arith.constant 96 : index
    %get3A_819 = tpu.vector_load %arg6[%get3A_817, %get3A_818] {strides = array<i32>} : memref<8x128xf32, #tpu.memory_space<vmem>>, vector<1x16xf32>,
    %get3A_820 = vector.shape_cast %get3A_819 : vector<1x16xf32> to vector<16xf32>
    %mul3A_821 = vector.broadcast %convert_element_type3A_815 : f32 to vector<16xf32>
    %mul3A_822 = arith.mulf %get3A_820, %mul3A_821 : vector<16xf32>
    %add3A_823 = arith.addf %add3A_809, %mul3A_822 : vector<16xf32>
    %swap3A_824 = arith.constant 96 : index
    %swap3A_825 = tpu.vector_load %arg7[%swap3A_824] {strides = array<i32>} : memref<128xf32, #tpu.memory_space<vmem>>, vector<16xf32>,
    %swap3A_826 = vector.shape_cast %swap3A_825 : vector<16xf32> to vector<16xf32>
    %swap3A_827 = vector.shape_cast %add3A_823 : vector<16xf32> to vector<16xf32>
    tpu.vector_store %arg7[%swap3A_824], %swap3A_827 {strides = array<i32>} : memref<128xf32, #tpu.memory_space<vmem>>, vector<16xf32>,
    %broadcast_in_dim3A_828 = arith.constant 0.000000e+00 : f32
    %broadcast_in_dim3A_829 = vector.broadcast %broadcast_in_dim3A_828 : f32 to vector<16xf32>
    %add3A_830 = arith.constant 0 : i32
    %add3A_831 = arith.addi %mul3A_2, %add3A_830 : i32
    %lt3A_832 = arith.constant 200 : i32
    %lt3A_833 = arith.cmpi slt, %add3A_831, %lt3A_832 : i32
    %convert_element_type3A_834 = arith.extui %lt3A_833 : i1 to i32
    %convert_element_type3A_835 = arith.sitofp %convert_element_type3A_834 : i32 to f32
    %get3A_836 = arith.constant 0 : i32
    %get3A_837 = arith.index_cast %get3A_836 : i32 to index
    %get3A_838 = arith.constant 112 : index
    %get3A_839 = tpu.vector_load %arg6[%get3A_837, %get3A_838] {strides = array<i32>} : memref<8x128xf32, #tpu.memory_space<vmem>>, vector<1x16xf32>,
    %get3A_840 = vector.shape_cast %get3A_839 : vector<1x16xf32> to vector<16xf32>
    %mul3A_841 = vector.broadcast %convert_element_type3A_835 : f32 to vector<16xf32>
    %mul3A_842 = arith.mulf %get3A_840, %mul3A_841 : vector<16xf32>
    %add3A_843 = arith.addf %broadcast_in_dim3A_829, %mul3A_842 : vector<16xf32>
    %add3A_844 = arith.constant 1 : i32
    %add3A_845 = arith.addi %mul3A_2, %add3A_844 : i32
    %lt3A_846 = arith.constant 200 : i32
    %lt3A_847 = arith.cmpi slt, %add3A_845, %lt3A_846 : i32
    %convert_element_type3A_848 = arith.extui %lt3A_847 : i1 to i32
    %convert_element_type3A_849 = arith.sitofp %convert_element_type3A_848 : i32 to f32
    %get3A_850 = arith.constant 1 : i32
    %get3A_851 = arith.index_cast %get3A_850 : i32 to index
    %get3A_852 = arith.constant 112 : index
    %get3A_853 = tpu.vector_load %arg6[%get3A_851, %get3A_852] {strides = array<i32>} : memref<8x128xf32, #tpu.memory_space<vmem>>, vector<1x16xf32>,
    %get3A_854 = vector.shape_cast %get3A_853 : vector<1x16xf32> to vector<16xf32>
    %mul3A_855 = vector.broadcast %convert_element_type3A_849 : f32 to vector<16xf32>
    %mul3A_856 = arith.mulf %get3A_854, %mul3A_855 : vector<16xf32>
    %add3A_857 = arith.addf %add3A_843, %mul3A_856 : vector<16xf32>
    %add3A_858 = arith.constant 2 : i32
    %add3A_859 = arith.addi %mul3A_2, %add3A_858 : i32
    %lt3A_860 = arith.constant 200 : i32
    %lt3A_861 = arith.cmpi slt, %add3A_859, %lt3A_860 : i32
    %convert_element_type3A_862 = arith.extui %lt3A_861 : i1 to i32
    %convert_element_type3A_863 = arith.sitofp %convert_element_type3A_862 : i32 to f32
    %get3A_864 = arith.constant 2 : i32
    %get3A_865 = arith.index_cast %get3A_864 : i32 to index
    %get3A_866 = arith.constant 112 : index
    %get3A_867 = tpu.vector_load %arg6[%get3A_865, %get3A_866] {strides = array<i32>} : memref<8x128xf32, #tpu.memory_space<vmem>>, vector<1x16xf32>,
    %get3A_868 = vector.shape_cast %get3A_867 : vector<1x16xf32> to vector<16xf32>
    %mul3A_869 = vector.broadcast %convert_element_type3A_863 : f32 to vector<16xf32>
    %mul3A_870 = arith.mulf %get3A_868, %mul3A_869 : vector<16xf32>
    %add3A_871 = arith.addf %add3A_857, %mul3A_870 : vector<16xf32>
    %add3A_872 = arith.constant 3 : i32
    %add3A_873 = arith.addi %mul3A_2, %add3A_872 : i32
    %lt3A_874 = arith.constant 200 : i32
    %lt3A_875 = arith.cmpi slt, %add3A_873, %lt3A_874 : i32
    %convert_element_type3A_876 = arith.extui %lt3A_875 : i1 to i32
    %convert_element_type3A_877 = arith.sitofp %convert_element_type3A_876 : i32 to f32
    %get3A_878 = arith.constant 3 : i32
    %get3A_879 = arith.index_cast %get3A_878 : i32 to index
    %get3A_880 = arith.constant 112 : index
    %get3A_881 = tpu.vector_load %arg6[%get3A_879, %get3A_880] {strides = array<i32>} : memref<8x128xf32, #tpu.memory_space<vmem>>, vector<1x16xf32>,
    %get3A_882 = vector.shape_cast %get3A_881 : vector<1x16xf32> to vector<16xf32>
    %mul3A_883 = vector.broadcast %convert_element_type3A_877 : f32 to vector<16xf32>
    %mul3A_884 = arith.mulf %get3A_882, %mul3A_883 : vector<16xf32>
    %add3A_885 = arith.addf %add3A_871, %mul3A_884 : vector<16xf32>
    %add3A_886 = arith.constant 4 : i32
    %add3A_887 = arith.addi %mul3A_2, %add3A_886 : i32
    %lt3A_888 = arith.constant 200 : i32
    %lt3A_889 = arith.cmpi slt, %add3A_887, %lt3A_888 : i32
    %convert_element_type3A_890 = arith.extui %lt3A_889 : i1 to i32
    %convert_element_type3A_891 = arith.sitofp %convert_element_type3A_890 : i32 to f32
    %get3A_892 = arith.constant 4 : i32
    %get3A_893 = arith.index_cast %get3A_892 : i32 to index
    %get3A_894 = arith.constant 112 : index
    %get3A_895 = tpu.vector_load %arg6[%get3A_893, %get3A_894] {strides = array<i32>} : memref<8x128xf32, #tpu.memory_space<vmem>>, vector<1x16xf32>,
    %get3A_896 = vector.shape_cast %get3A_895 : vector<1x16xf32> to vector<16xf32>
    %mul3A_897 = vector.broadcast %convert_element_type3A_891 : f32 to vector<16xf32>
    %mul3A_898 = arith.mulf %get3A_896, %mul3A_897 : vector<16xf32>
    %add3A_899 = arith.addf %add3A_885, %mul3A_898 : vector<16xf32>
    %add3A_900 = arith.constant 5 : i32
    %add3A_901 = arith.addi %mul3A_2, %add3A_900 : i32
    %lt3A_902 = arith.constant 200 : i32
    %lt3A_903 = arith.cmpi slt, %add3A_901, %lt3A_902 : i32
    %convert_element_type3A_904 = arith.extui %lt3A_903 : i1 to i32
    %convert_element_type3A_905 = arith.sitofp %convert_element_type3A_904 : i32 to f32
    %get3A_906 = arith.constant 5 : i32
    %get3A_907 = arith.index_cast %get3A_906 : i32 to index
    %get3A_908 = arith.constant 112 : index
    %get3A_909 = tpu.vector_load %arg6[%get3A_907, %get3A_908] {strides = array<i32>} : memref<8x128xf32, #tpu.memory_space<vmem>>, vector<1x16xf32>,
    %get3A_910 = vector.shape_cast %get3A_909 : vector<1x16xf32> to vector<16xf32>
    %mul3A_911 = vector.broadcast %convert_element_type3A_905 : f32 to vector<16xf32>
    %mul3A_912 = arith.mulf %get3A_910, %mul3A_911 : vector<16xf32>
    %add3A_913 = arith.addf %add3A_899, %mul3A_912 : vector<16xf32>
    %add3A_914 = arith.constant 6 : i32
    %add3A_915 = arith.addi %mul3A_2, %add3A_914 : i32
    %lt3A_916 = arith.constant 200 : i32
    %lt3A_917 = arith.cmpi slt, %add3A_915, %lt3A_916 : i32
    %convert_element_type3A_918 = arith.extui %lt3A_917 : i1 to i32
    %convert_element_type3A_919 = arith.sitofp %convert_element_type3A_918 : i32 to f32
    %get3A_920 = arith.constant 6 : i32
    %get3A_921 = arith.index_cast %get3A_920 : i32 to index
    %get3A_922 = arith.constant 112 : index
    %get3A_923 = tpu.vector_load %arg6[%get3A_921, %get3A_922] {strides = array<i32>} : memref<8x128xf32, #tpu.memory_space<vmem>>, vector<1x16xf32>,
    %get3A_924 = vector.shape_cast %get3A_923 : vector<1x16xf32> to vector<16xf32>
    %mul3A_925 = vector.broadcast %convert_element_type3A_919 : f32 to vector<16xf32>
    %mul3A_926 = arith.mulf %get3A_924, %mul3A_925 : vector<16xf32>
    %add3A_927 = arith.addf %add3A_913, %mul3A_926 : vector<16xf32>
    %add3A_928 = arith.constant 7 : i32
    %add3A_929 = arith.addi %mul3A_2, %add3A_928 : i32
    %lt3A_930 = arith.constant 200 : i32
    %lt3A_931 = arith.cmpi slt, %add3A_929, %lt3A_930 : i32
    %convert_element_type3A_932 = arith.extui %lt3A_931 : i1 to i32
    %convert_element_type3A_933 = arith.sitofp %convert_element_type3A_932 : i32 to f32
    %get3A_934 = arith.constant 7 : i32
    %get3A_935 = arith.index_cast %get3A_934 : i32 to index
    %get3A_936 = arith.constant 112 : index
    %get3A_937 = tpu.vector_load %arg6[%get3A_935, %get3A_936] {strides = array<i32>} : memref<8x128xf32, #tpu.memory_space<vmem>>, vector<1x16xf32>,
    %get3A_938 = vector.shape_cast %get3A_937 : vector<1x16xf32> to vector<16xf32>
    %mul3A_939 = vector.broadcast %convert_element_type3A_933 : f32 to vector<16xf32>
    %mul3A_940 = arith.mulf %get3A_938, %mul3A_939 : vector<16xf32>
    %add3A_941 = arith.addf %add3A_927, %mul3A_940 : vector<16xf32>
    %swap3A_942 = arith.constant 112 : index
    %swap3A_943 = tpu.vector_load %arg7[%swap3A_942] {strides = array<i32>} : memref<128xf32, #tpu.memory_space<vmem>>, vector<16xf32>,
    %swap3A_944 = vector.shape_cast %swap3A_943 : vector<16xf32> to vector<16xf32>
    %swap3A_945 = vector.shape_cast %add3A_941 : vector<16xf32> to vector<16xf32>
    tpu.vector_store %arg7[%swap3A_942], %swap3A_945 {strides = array<i32>} : memref<128xf32, #tpu.memory_space<vmem>>, vector<16xf32>,
    "tpu.region"() ({
      %run_scoped3A = tpu.sem_alloc : memref<!tpu.dma_semaphore, #tpu.memory_space<semaphore_mem>>
      %dma_start3A_946 = arith.constant 0 : i32
      %dma_start3A_947 = tpu.memref_slice %arg4[%add3A, %dma_start3A_946] : memref<32x128xf32, #tpu.memory_space<hbm>> -> memref<1x128xf32, #tpu.memory_space<hbm>>
      %dma_start3A_948 = tpu.memref_squeeze %dma_start3A_947 : memref<1x128xf32, #tpu.memory_space<hbm>> -> memref<128xf32, #tpu.memory_space<hbm>>
      %dma_start3A_949 = arith.constant 0 : i32
      %dma_start3A_950 = tpu.memref_slice %arg4[%add3A, %dma_start3A_949] : memref<32x128xf32, #tpu.memory_space<hbm>> -> memref<1x128xf32, #tpu.memory_space<hbm>>
      %dma_start3A_951 = tpu.memref_squeeze %dma_start3A_950 : memref<1x128xf32, #tpu.memory_space<hbm>> -> memref<128xf32, #tpu.memory_space<hbm>>
      tpu.enqueue_dma source(%arg7 : memref<128xf32, #tpu.memory_space<vmem>>) target(%dma_start3A_951 : memref<128xf32, #tpu.memory_space<hbm>>) target_semaphore(%run_scoped3A : memref<!tpu.dma_semaphore, #tpu.memory_space<semaphore_mem>>)
      %dma_wait3A_952 = arith.constant 0 : i32
      %dma_wait3A_953 = tpu.memref_slice %arg4[%add3A, %dma_wait3A_952] : memref<32x128xf32, #tpu.memory_space<hbm>> -> memref<1x128xf32, #tpu.memory_space<hbm>>
      %dma_wait3A_954 = tpu.memref_squeeze %dma_wait3A_953 : memref<1x128xf32, #tpu.memory_space<hbm>> -> memref<128xf32, #tpu.memory_space<hbm>>
      %dma_wait3A_955 = arith.constant 0 : i32
      %dma_wait3A_956 = tpu.memref_slice %arg4[%add3A, %dma_wait3A_955] : memref<32x128xf32, #tpu.memory_space<hbm>> -> memref<1x128xf32, #tpu.memory_space<hbm>>
      %dma_wait3A_957 = tpu.memref_squeeze %dma_wait3A_956 : memref<1x128xf32, #tpu.memory_space<hbm>> -> memref<128xf32, #tpu.memory_space<hbm>>
      tpu.wait_dma2 semaphore(%run_scoped3A : memref<!tpu.dma_semaphore, #tpu.memory_space<semaphore_mem>>) src(%arg7 : memref<128xf32, #tpu.memory_space<vmem>>) dst(%dma_wait3A_957 : memref<128xf32, #tpu.memory_space<hbm>>)
      tpu.yield
    }) : () -> ()
    return
  }
}

module attributes {stable_mosaic.version = 14 : i64} {
  func.func @_norm_body(%arg0: i32, %arg1: memref<1x1x4000xf32, #tpu.memory_space<vmem>>, %arg2: memref<1x1xf32, #tpu.memory_space<smem>>, %arg3: memref<1x1x4000xf32, #tpu.memory_space<vmem>>) attributes {dimension_semantics = [#tpu.dimension_semantics<arbitrary>], iteration_bounds = array<i64: 25>, scalar_prefetch = 0 : i64, scratch_operands = 0 : i64, tpu.core_type = #tpu.core_type<tc>, window_params = [{transform_indices = @transform_0, window_bounds = array<i64: 1, 1, 4000>}, {transform_indices = @transform_1, window_bounds = array<i64: 1, 1>}, {transform_indices = @transform_2, window_bounds = array<i64: 1, 1, 4000>}]} {
    %get3A = arith.constant 0 : index
    %get3A_0 = arith.constant 0 : index
    %get3A_1 = arith.constant 0 : index
    %get3A_2 = vector.load %arg1[%get3A, %get3A_0, %get3A_1] : memref<1x1x4000xf32, #tpu.memory_space<vmem>>, vector<1x1x4000xf32>
    %get3A_3 = vector.shape_cast %get3A_2 : vector<1x1x4000xf32> to vector<1x4000xf32>
    %get3A_4 = arith.constant 0 : index
    %get3A_5 = arith.constant 0 : index
    %get3A_6 = memref.load %arg2[%get3A_4, %get3A_5] : memref<1x1xf32, #tpu.memory_space<smem>>
    %sub3A = vector.broadcast %get3A_6 : f32 to vector<1x4000xf32>
    %sub3A_7 = arith.subf %get3A_3, %sub3A : vector<1x4000xf32>
    %swap3A = arith.constant 0 : index
    %swap3A_8 = arith.constant 0 : index
    %swap3A_9 = arith.constant 0 : index
    %swap3A_10 = vector.load %arg3[%swap3A, %swap3A_8, %swap3A_9] : memref<1x1x4000xf32, #tpu.memory_space<vmem>>, vector<1x1x4000xf32>
    %swap3A_11 = vector.shape_cast %swap3A_10 : vector<1x1x4000xf32> to vector<1x4000xf32>
    %swap3A_12 = vector.shape_cast %sub3A_7 : vector<1x4000xf32> to vector<1x1x4000xf32>
    tpu.vector_store %arg3[%swap3A, %swap3A_8, %swap3A_9], %swap3A_12 {strides = array<i32>} : memref<1x1x4000xf32, #tpu.memory_space<vmem>>, vector<1x1x4000xf32>,
    return
  }
  func.func @transform_0(%arg0: i32) -> (i32, i32, i32) {
    %c0_i32 = arith.constant 0 : i32
    %c0_i32_0 = arith.constant 0 : i32
    %c0_i32_1 = arith.constant 0 : i32
    return %arg0, %c0_i32, %c0_i32_0 : i32, i32, i32
  }
  func.func @transform_1(%arg0: i32) -> (i32, i32) {
    %c0_i32 = arith.constant 0 : i32
    %c0_i32_0 = arith.constant 0 : i32
    %c0_i32_1 = arith.constant 0 : i32
    return %c0_i32, %c0_i32_0 : i32, i32
  }
  func.func @transform_2(%arg0: i32) -> (i32, i32, i32) {
    %c0_i32 = arith.constant 0 : i32
    %c0_i32_0 = arith.constant 0 : i32
    %c0_i32_1 = arith.constant 0 : i32
    return %arg0, %c0_i32, %c0_i32_0 : i32, i32, i32
  }
}

module attributes {stable_mosaic.version = 14 : i64} {
  func.func @_logits_body(%arg0: i32, %arg1: memref<32x128xf32, #tpu.memory_space<vmem>>, %arg2: memref<128x128xf32, #tpu.memory_space<vmem>>, %arg3: memref<1x128xf32, #tpu.memory_space<vmem>>, %arg4: memref<1x4000x128xf32, #tpu.memory_space<vmem>>, %arg5: memref<1x1x4000xf32, #tpu.memory_space<vmem>>, %arg6: memref<1x1x4000xf32, #tpu.memory_space<vmem>>, %arg7: memref<1x1xf32, #tpu.memory_space<smem>>, %arg8: memref<8x128xf32, #tpu.memory_space<vmem>>, %arg9: memref<1x1xf32, #tpu.memory_space<smem>>, %arg10: memref<1x1xf32, #tpu.memory_space<smem>>) attributes {dimension_semantics = [#tpu.dimension_semantics<arbitrary>], iteration_bounds = array<i64: 25>, scalar_prefetch = 0 : i64, scratch_operands = 3 : i64, tpu.core_type = #tpu.core_type<tc>, window_params = [{pipeline_mode = #tpu.pipeline_mode<synchronous>, transform_indices = @transform_0, window_bounds = array<i64: 32, 128>}, {pipeline_mode = #tpu.pipeline_mode<synchronous>, transform_indices = @transform_1, window_bounds = array<i64: 128, 128>}, {pipeline_mode = #tpu.pipeline_mode<synchronous>, transform_indices = @transform_2, window_bounds = array<i64: 1, 128>}, {transform_indices = @transform_3, window_bounds = array<i64: 1, 4000, 128>}, {transform_indices = @transform_4, window_bounds = array<i64: 1, 1, 4000>}, {transform_indices = @transform_5, window_bounds = array<i64: 1, 1, 4000>}, {transform_indices = @transform_6, window_bounds = array<i64: 1, 1>}]} {
    %eq3A = arith.constant 0 : i32
    %eq3A_0 = arith.cmpi eq, %arg0, %eq3A : i32
    %convert_element_type3A = arith.extui %eq3A_0 : i1 to i32
    %cond3A = arith.constant 0 : i32
    %cond3A_1 = arith.cmpi ne, %convert_element_type3A, %cond3A : i32
    scf.if %cond3A_1 {
      %get3A_49 = arith.constant 0 : index
      %get3A_50 = arith.constant 0 : index
      %get3A_51 = vector.load %arg1[%get3A_49, %get3A_50] : memref<32x128xf32, #tpu.memory_space<vmem>>, vector<32x128xf32>
      %reduce_sum3A_52 = arith.constant dense<0.000000e+00> : vector<128xf32>
      %reduce_sum3A_53 = vector.multi_reduction <add>, %get3A_51, %reduce_sum3A_52 [0] : vector<32x128xf32> to vector<128xf32>
      %broadcast_in_dim3A = vector.shape_cast %reduce_sum3A_53 : vector<128xf32> to vector<1x128xf32>
      %broadcast_in_dim3A_54 = vector.shape_cast %broadcast_in_dim3A : vector<1x128xf32> to vector<1x128xf32>
      %broadcast_in_dim3A_55 = vector.broadcast %broadcast_in_dim3A_54 : vector<1x128xf32> to vector<8x128xf32>
      %get3A_56 = arith.constant 0 : index
      %get3A_57 = arith.constant 0 : index
      %get3A_58 = vector.load %arg2[%get3A_56, %get3A_57] : memref<128x128xf32, #tpu.memory_space<vmem>>, vector<128x128xf32>
      %dot_general3A_59 = arith.constant dense<0.000000e+00> : vector<8x128xf32>
      %dot_general3A_60 = tpu.matmul %broadcast_in_dim3A_55, %get3A_58, %dot_general3A_59 {dimension_numbers = #tpu.dot_dimension_numbers<[1], [1], [0], [0], [0, 0, 1, 0], [], []>, transpose_lhs_hint = false} : vector<8x128xf32>, vector<128x128xf32>, vector<8x128xf32> -> vector<8x128xf32>
      %get3A_61 = arith.constant 0 : index
      %get3A_62 = arith.constant 0 : index
      %get3A_63 = vector.load %arg3[%get3A_61, %get3A_62] : memref<1x128xf32, #tpu.memory_space<vmem>>, vector<1x128xf32>
      %add3A_64 = vector.broadcast %get3A_63 : vector<1x128xf32> to vector<8x128xf32>
      %add3A_65 = arith.addf %dot_general3A_60, %add3A_64 : vector<8x128xf32>
      %max3A_66 = arith.constant 0.000000e+00 : f32
      %max3A_67 = vector.broadcast %max3A_66 : f32 to vector<8x128xf32>
      %max3A_68 = arith.maximumf %add3A_65, %max3A_67 : vector<8x128xf32>
      %swap3A_69 = arith.constant 0 : index
      %swap3A_70 = arith.constant 0 : index
      %swap3A_71 = vector.load %arg8[%swap3A_69, %swap3A_70] : memref<8x128xf32, #tpu.memory_space<vmem>>, vector<8x128xf32>
      tpu.vector_store %arg8[%swap3A_69, %swap3A_70], %max3A_68 {strides = array<i32>} : memref<8x128xf32, #tpu.memory_space<vmem>>, vector<8x128xf32>,
      %swap3A_72 = arith.constant 0xFF800000 : f32
      %swap3A_73 = arith.constant 0 : index
      %swap3A_74 = arith.constant 0 : index
      %swap3A_75 = memref.load %arg9[%swap3A_73, %swap3A_74] : memref<1x1xf32, #tpu.memory_space<smem>>
      memref.store %swap3A_72, %arg9[%swap3A_73, %swap3A_74] : memref<1x1xf32, #tpu.memory_space<smem>>
      %swap3A_76 = arith.constant 0.000000e+00 : f32
      %swap3A_77 = arith.constant 0 : index
      %swap3A_78 = arith.constant 0 : index
      %swap3A_79 = memref.load %arg10[%swap3A_77, %swap3A_78] : memref<1x1xf32, #tpu.memory_space<smem>>
      memref.store %swap3A_76, %arg10[%swap3A_77, %swap3A_78] : memref<1x1xf32, #tpu.memory_space<smem>>
    } else {
    }
    %get3A = arith.constant 0 : index
    %get3A_2 = arith.constant 0 : index
    %get3A_3 = vector.load %arg8[%get3A, %get3A_2] : memref<8x128xf32, #tpu.memory_space<vmem>>, vector<8x128xf32>
    %get3A_4 = arith.constant 0 : index
    %get3A_5 = arith.constant 0 : index
    %get3A_6 = arith.constant 0 : index
    %get3A_7 = vector.load %arg4[%get3A_4, %get3A_5, %get3A_6] : memref<1x4000x128xf32, #tpu.memory_space<vmem>>, vector<1x4000x128xf32>
    %get3A_8 = vector.shape_cast %get3A_7 : vector<1x4000x128xf32> to vector<4000x128xf32>
    %dot_general3A = arith.constant dense<0.000000e+00> : vector<8x4000xf32>
    %dot_general3A_9 = tpu.matmul %get3A_3, %get3A_8, %dot_general3A {dimension_numbers = #tpu.dot_dimension_numbers<[1], [1], [0], [0], [0, 0, 1, 0], [], []>, transpose_lhs_hint = false} : vector<8x128xf32>, vector<4000x128xf32>, vector<8x4000xf32> -> vector<8x4000xf32>
    %slice3A = vector.extract_strided_slice %dot_general3A_9 {offsets = [0, 0], sizes = [1, 4000], strides = [1, 1]} : vector<8x4000xf32> to vector<1x4000xf32>
    %get3A_10 = arith.constant 0 : index
    %get3A_11 = arith.constant 0 : index
    %get3A_12 = arith.constant 0 : index
    %get3A_13 = vector.load %arg5[%get3A_10, %get3A_11, %get3A_12] : memref<1x1x4000xf32, #tpu.memory_space<vmem>>, vector<1x1x4000xf32>
    %get3A_14 = vector.shape_cast %get3A_13 : vector<1x1x4000xf32> to vector<1x4000xf32>
    %add3A = arith.addf %slice3A, %get3A_14 : vector<1x4000xf32>
    %swap3A = arith.constant 0 : index
    %swap3A_15 = arith.constant 0 : index
    %swap3A_16 = arith.constant 0 : index
    %swap3A_17 = vector.load %arg6[%swap3A, %swap3A_15, %swap3A_16] : memref<1x1x4000xf32, #tpu.memory_space<vmem>>, vector<1x1x4000xf32>
    %swap3A_18 = vector.shape_cast %swap3A_17 : vector<1x1x4000xf32> to vector<1x4000xf32>
    %swap3A_19 = vector.shape_cast %add3A : vector<1x4000xf32> to vector<1x1x4000xf32>
    tpu.vector_store %arg6[%swap3A, %swap3A_15, %swap3A_16], %swap3A_19 {strides = array<i32>} : memref<1x1x4000xf32, #tpu.memory_space<vmem>>, vector<1x1x4000xf32>,
    %get3A_20 = arith.constant 0 : index
    %get3A_21 = arith.constant 0 : index
    %get3A_22 = memref.load %arg9[%get3A_20, %get3A_21] : memref<1x1xf32, #tpu.memory_space<smem>>
    %reduce_max3A = vector.shape_cast %add3A : vector<1x4000xf32> to vector<1x1x4000xf32>
    %reduce_max3A_23 = arith.constant dense<0xFF800000> : vector<1xf32>
    %reduce_max3A_24 = vector.multi_reduction <maximumf>, %reduce_max3A, %reduce_max3A_23 [1, 2] : vector<1x1x4000xf32> to vector<1xf32>
    %reduce_max3A_25 = vector.shape_cast %reduce_max3A_24 : vector<1xf32> to vector<1x1x1xf32>
    %reduce_max3A_26 = vector.extract %reduce_max3A_25[0, 0, 0] : f32 from vector<1x1x1xf32>
    %max3A = arith.maximumf %get3A_22, %reduce_max3A_26 : f32
    %get3A_27 = arith.constant 0 : index
    %get3A_28 = arith.constant 0 : index
    %get3A_29 = memref.load %arg10[%get3A_27, %get3A_28] : memref<1x1xf32, #tpu.memory_space<smem>>
    %sub3A = arith.subf %get3A_22, %max3A : f32
    %exp3A = math.exp %sub3A : f32
    %mul3A = arith.mulf %get3A_29, %exp3A : f32
    %sub3A_30 = vector.broadcast %max3A : f32 to vector<1x4000xf32>
    %sub3A_31 = arith.subf %add3A, %sub3A_30 : vector<1x4000xf32>
    %exp3A_32 = math.exp %sub3A_31 : vector<1x4000xf32>
    %reduce_sum3A = vector.shape_cast %exp3A_32 : vector<1x4000xf32> to vector<1x1x4000xf32>
    %reduce_sum3A_33 = arith.constant dense<0.000000e+00> : vector<1xf32>
    %reduce_sum3A_34 = vector.multi_reduction <add>, %reduce_sum3A, %reduce_sum3A_33 [1, 2] : vector<1x1x4000xf32> to vector<1xf32>
    %reduce_sum3A_35 = vector.shape_cast %reduce_sum3A_34 : vector<1xf32> to vector<1x1x1xf32>
    %reduce_sum3A_36 = vector.extract %reduce_sum3A_35[0, 0, 0] : f32 from vector<1x1x1xf32>
    %add3A_37 = arith.addf %mul3A, %reduce_sum3A_36 : f32
    %swap3A_38 = arith.constant 0 : index
    %swap3A_39 = arith.constant 0 : index
    %swap3A_40 = memref.load %arg10[%swap3A_38, %swap3A_39] : memref<1x1xf32, #tpu.memory_space<smem>>
    memref.store %add3A_37, %arg10[%swap3A_38, %swap3A_39] : memref<1x1xf32, #tpu.memory_space<smem>>
    %swap3A_41 = arith.constant 0 : index
    %swap3A_42 = arith.constant 0 : index
    %swap3A_43 = memref.load %arg9[%swap3A_41, %swap3A_42] : memref<1x1xf32, #tpu.memory_space<smem>>
    memref.store %max3A, %arg9[%swap3A_41, %swap3A_42] : memref<1x1xf32, #tpu.memory_space<smem>>
    %eq3A_44 = arith.constant 24 : i32
    %eq3A_45 = arith.cmpi eq, %arg0, %eq3A_44 : i32
    %convert_element_type3A_46 = arith.extui %eq3A_45 : i1 to i32
    %cond3A_47 = arith.constant 0 : i32
    %cond3A_48 = arith.cmpi ne, %convert_element_type3A_46, %cond3A_47 : i32
    scf.if %cond3A_48 {
      %get3A_49 = arith.constant 0 : index
      %get3A_50 = arith.constant 0 : index
      %get3A_51 = memref.load %arg9[%get3A_49, %get3A_50] : memref<1x1xf32, #tpu.memory_space<smem>>
      %get3A_52 = arith.constant 0 : index
      %get3A_53 = arith.constant 0 : index
      %get3A_54 = memref.load %arg10[%get3A_52, %get3A_53] : memref<1x1xf32, #tpu.memory_space<smem>>
      %log3A = math.log %get3A_54 : f32
      %add3A_55 = arith.addf %get3A_51, %log3A : f32
      %swap3A_56 = arith.constant 0 : index
      %swap3A_57 = arith.constant 0 : index
      %swap3A_58 = memref.load %arg7[%swap3A_56, %swap3A_57] : memref<1x1xf32, #tpu.memory_space<smem>>
      memref.store %add3A_55, %arg7[%swap3A_56, %swap3A_57] : memref<1x1xf32, #tpu.memory_space<smem>>
    } else {
    }
    return
  }
  func.func @transform_0(%arg0: i32) -> (i32, i32) {
    %c0_i32 = arith.constant 0 : i32
    %c0_i32_0 = arith.constant 0 : i32
    %c0_i32_1 = arith.constant 0 : i32
    return %c0_i32, %c0_i32_0 : i32, i32
  }
  func.func @transform_1(%arg0: i32) -> (i32, i32) {
    %c0_i32 = arith.constant 0 : i32
    %c0_i32_0 = arith.constant 0 : i32
    %c0_i32_1 = arith.constant 0 : i32
    return %c0_i32, %c0_i32_0 : i32, i32
  }
  func.func @transform_2(%arg0: i32) -> (i32, i32) {
    %c0_i32 = arith.constant 0 : i32
    %c0_i32_0 = arith.constant 0 : i32
    %c0_i32_1 = arith.constant 0 : i32
    return %c0_i32, %c0_i32_0 : i32, i32
  }
  func.func @transform_3(%arg0: i32) -> (i32, i32, i32) {
    %c0_i32 = arith.constant 0 : i32
    %c0_i32_0 = arith.constant 0 : i32
    %c0_i32_1 = arith.constant 0 : i32
    return %arg0, %c0_i32, %c0_i32_0 : i32, i32, i32
  }
  func.func @transform_4(%arg0: i32) -> (i32, i32, i32) {
    %c0_i32 = arith.constant 0 : i32
    %c0_i32_0 = arith.constant 0 : i32
    %c0_i32_1 = arith.constant 0 : i32
    return %arg0, %c0_i32, %c0_i32_0 : i32, i32, i32
  }
  func.func @transform_5(%arg0: i32) -> (i32, i32, i32) {
    %c0_i32 = arith.constant 0 : i32
    %c0_i32_0 = arith.constant 0 : i32
    %c0_i32_1 = arith.constant 0 : i32
    return %arg0, %c0_i32, %c0_i32_0 : i32, i32, i32
  }
  func.func @transform_6(%arg0: i32) -> (i32, i32) {
    %c0_i32 = arith.constant 0 : i32
    %c0_i32_0 = arith.constant 0 : i32
    %c0_i32_1 = arith.constant 0 : i32
    return %c0_i32, %c0_i32_0 : i32, i32
  }
}

</mosaic_0001>

<sc_bundles>
// kernel: kernel.5.cloned.1.call-start
scs
__scs_entry_jumppad:
0x0: {  	(pc) =	sbr.rel $0x88, $3  }
0x1: {  	(tag) =	ssettag $0x0;
	lr =	simm.s32 $0x1  }
0x2: {  	[smem:$0x3F9B] =	sst lr;
	_ =	strace $0xD0000000  }
0x3: {  	_ = 	snop  }
0x4: {  	_ = 	snop  }
0x5: {  	_ = 	snop  }
0x6: {  	_ = 	snop  }
0x7: {  	_ = 	snop  }
__scs_overlays_trampoline_lowered:
0x8: {  	[smem:$0x3FAA] =	sst s0  }
0x9: {  	[smem:$0x3FAB] =	sst s1  }
0xa: {  	[smem:$0x3FAC] =	sst s2  }
0xb: {  	[smem:$0x3FAD] =	sst s3  }
0xc: {  	[smem:$0x3FAE] =	sst s4  }
0xd: {  	[smem:$0x3FAF] =	sst s5  }
0xe: {  	[smem:$0x3FB0] =	sst s6  }
0xf: {  	[smem:$0x3FB1] =	sst s7  }
0x10: {  	[smem:$0x3FB2] =	sst s8  }
0x11: {  	[smem:$0x3FB3] =	sst s9;
	s0 =	simm.s32 @!p0 $0x0  }
0x12: {  	s1 =	sld [smem:$0x3F99];
	s0 =	simm.s32 @p0 $0x1  }
0x13: {  	[smem:$0x3FB4] =	sst s0;
	s0 =	simm.s32 @!p1 $0x0  }
0x14: {  	s2 =	sld [smem:$0x3F98];
	s0 =	simm.s32 @p1 $0x1  }
0x15: {  	[smem:$0x3FB5] =	sst s0;
	s0 =	simm.s32 @!p2 $0x0  }
0x16: {  	s3 =	sld [smem:$0x3FDB];
	s0 =	simm.s32 @p2 $0x1  }
0x17: {  	s4 =	simm.s32 $0x1BF5;
	[smem:$0x3FB7] =	sst s0  }
0x18: {  	s0 =	sld [smem:$0x3F9A];
	_ =	swait.ge [sflag:s4], $0x0  }
0x19: {  	s7 =	sld [smem:$0x3F9B]  }
0x1a: {  	s8 =	sadd.s32 $0xFFFFE003, lr  }
0x1b: {  	s9 =	sadd.s32 $0xFFFFFEF7, lr;
	s5 =	simm.s32 $0xFFFFFFFF;
	p2 =	slt.u32 s8, $0xFFFFF086  }
0x1c: {  	p1 =	slt.u32 s9, $0xF7A;
	s5 =	simm.s32 @!p2 $0x0  }
0x1d: {  	s5 =	simm.s32 @p1 $0x1;
	p0 =	seq.s32 s7, s2  }
0x1e: {  	s7 =	smul.u32 @!p0 $0xF7A, s2;
	p2 =	seq.s32 @!p0 s5, $0x0  }
0x1f: {  	s9 =	smul.u32 $0xF7A, s1;
	s8 =	simm.s32 @!p0 $0x1BF5;
	p2 =	por !p2, p0  }
0x20: {  	[sflag:s8] =	ssyncset.s32 @!p0 $0xFFFFF086;
	s6 =	sadd.s32 @!p0 s3, s7;
	s7 =	simm.s32 @!p0 $0x108  }
0x21: {  	s3 =	sadd.s32 s3, s9;
	s6 =	sadd.s32 @!p0 $0x88, s6;
	s7 =	simm.s32 @p2 $0x1082  }
0x22: {  	[simem:s7], [sflag:s8] =	dma.local @!p0 [hbm:s6], $0xF7A  }
0x23: {  	s9 =	sor.u32 $0xD0000000, s2;
	s6 =	simm.s32 $0x108;
	_ =	swait.ge @!p0 [sflag:s8], $0x0  }
0x24: {  	s3 =	sadd.s32 $0x88, s3;
	s6 =	simm.s32 @!p1 $0x1082;
	[sflag:s4] =	ssyncset.s32 $0xFFFFF086  }
0x25: {  	[simem:s6], [sflag:s4] =	dma.local [hbm:s3], $0xF7A  }
0x26: {  	[smem:$0x3F9B] =	sst s1;
	(tag) =	ssettag s2;
	_ =	strace s9  }
0x27: {  	s1 =	sld [smem:$0x3FAB]  }
0x28: {  	s2 =	sld [smem:$0x3FAC]  }
0x29: {  	s4 =	sld [smem:$0x3FAE]  }
0x2a: {  	p0 =	seq.s32 s5, $0x0;
	s5 =	sld [smem:$0x3FAF]  }
0x2b: {  	s6 =	sld [smem:$0x3FB0]  }
0x2c: {  	s7 =	sld [smem:$0x3FB1]  }
0x2d: {  	s3 =	simm.s32 $0x108;
	s8 =	sld [smem:$0x3FB2]  }
0x2e: {  	s3 =	simm.s32 @!p0 $0x1082;
	s9 =	sld [smem:$0x3FB3]  }
0x2f: {  	lr =	sadd.s32 s0, s3;
	s0 =	sld [smem:$0x3FAA]  }
0x30: {  	s3 =	sld [smem:$0x3FAD]  }
0x31: {  	[smem:$0x3FB6] =	sst s10  }
0x32: {  	s10 =	sld [smem:$0x3FB4];
	_ =	sdelay $0x3  }
0x33: {  	p0 =	seq.s32 s10, $0x1;
	s10 =	sld [smem:$0x3FB6];
	_ =	sdelay $0x3  }
0x34: {  	[smem:$0x3FB6] =	sst s10  }
0x35: {  	s10 =	sld [smem:$0x3FB5];
	_ =	sdelay $0x3  }
0x36: {  	p1 =	seq.s32 s10, $0x1;
	s10 =	sld [smem:$0x3FB6];
	_ =	sdelay $0x3  }
0x37: {  	[smem:$0x3FB6] =	sst s10  }
0x38: {  	s10 =	sld [smem:$0x3FB7]  }
0x39: {  	_ = 	snop;
	(pc) =	sbr.ind lr, $3  }
0x3a: {  	_ = 	snop  }
0x3b: {  	_ = 	snop  }
0x3c: {  	p2 =	seq.s32 s10, $0x1;
	s10 =	sld [smem:$0x3FB6]  }
0x3d: {  	_ =	shalt  }
0x3e: {  	_ =	shalt  }
0x3f: {  	_ =	shalt  }
0x40: {  	_ =	shalt  }
0x41: {  	_ =	shalt  }
0x42: {  	_ =	shalt  }
0x43: {  	_ =	shalt  }
0x44: {  	_ =	shalt  }
0x45: {  	_ =	shalt  }
0x46: {  	_ =	shalt  }
0x47: {  	_ =	shalt  }
0x48: {  	_ =	shalt  }
0x49: {  	_ =	shalt  }
0x4a: {  	_ =	shalt  }
0x4b: {  	_ =	shalt  }
0x4c: {  	_ =	shalt  }
0x4d: {  	_ =	shalt  }
0x4e: {  	_ =	shalt  }
0x4f: {  	_ =	shalt  }
0x50: {  	_ =	shalt  }
0x51: {  	_ =	shalt  }
0x52: {  	_ =	shalt  }
0x53: {  	_ =	shalt  }
0x54: {  	_ =	shalt  }
0x55: {  	_ =	shalt  }
0x56: {  	_ =	shalt  }
0x57: {  	_ =	shalt  }
0x58: {  	_ =	shalt  }
0x59: {  	_ =	shalt  }
0x5a: {  	_ =	shalt  }
0x5b: {  	_ =	shalt  }
0x5c: {  	_ =	shalt  }
0x5d: {  	_ =	shalt  }
0x5e: {  	_ =	shalt  }
0x5f: {  	_ =	shalt  }
0x60: {  	_ =	shalt  }
0x61: {  	_ =	shalt  }
0x62: {  	_ =	shalt  }
0x63: {  	_ =	shalt  }
0x64: {  	_ =	shalt  }
0x65: {  	_ =	shalt  }
0x66: {  	_ =	shalt  }
0x67: {  	_ =	shalt  }
0x68: {  	_ =	shalt  }
0x69: {  	_ =	shalt  }
0x6a: {  	_ =	shalt  }
0x6b: {  	_ =	shalt  }
0x6c: {  	_ =	shalt  }
0x6d: {  	_ =	shalt  }
0x6e: {  	_ =	shalt  }
0x6f: {  	_ =	shalt  }
0x70: {  	_ =	shalt  }
0x71: {  	_ =	shalt  }
0x72: {  	_ =	shalt  }
0x73: {  	_ =	shalt  }
0x74: {  	_ =	shalt  }
0x75: {  	_ =	shalt  }
0x76: {  	_ =	shalt  }
0x77: {  	_ =	shalt  }
0x78: {  	_ =	shalt  }
0x79: {  	_ =	shalt  }
0x7a: {  	_ =	shalt  }
0x7b: {  	_ =	shalt  }
0x7c: {  	_ =	shalt  }
0x7d: {  	_ =	shalt  }
0x7e: {  	_ =	shalt  }
0x7f: {  	_ =	shalt  }
0x80: {  	_ =	shalt  }
0x81: {  	_ =	shalt  }
0x82: {  	_ =	shalt  }
0x83: {  	_ =	shalt  }
0x84: {  	_ =	shalt  }
0x85: {  	_ =	shalt  }
0x86: {  	_ =	shalt  }
0x87: {  	_ =	shalt  }
.Lfunc_end0:
.L_simem_size_0:
called_computation_lowered:
.L_overlay_start_0:
0x88: {  	s2 =	sld [smem:$0x3FD9]  }
0x89: {  	s3 =	sld [smem:$0x3FFE];
	_ =	sdelay $0x1  }
0x8a: {  	s1 =	srdreg.scid  }
0x8b: {  	s0 =	sand.u32 $0x1, s1  }
0x8c: {  	s17 =	sshll.u32 s0, $0xA;
	s2 =	sadd.s32 s3, s2  }
0x8d: {  	s2 =	sadd.s32 s2, s17  }
0x8e: {  	[smem:$0x3FC2] =	sst s2  }
0x8f: {  	_ = 	snop  }
0x90: {  	s2 =	sld [smem:$0x3FC8]  }
0x91: {  	s18 =	sld [smem:$0x3FD0];
	(tm) =	ssettm $0x1  }
0x92: {  	s4 =	sld [smem:$0x3FFB];
	_ =	sdelay $0x3  }
0x93: {  	_ =	strace s4  }
0x94: {  	s4 =	sld [smem:$0x3FFC];
	_ =	sdelay $0x3  }
0x95: {  	_ =	strace s4  }
0x96: {  	s4 =	sld [smem:$0x3FFD];
	_ =	sdelay $0x3  }
0x97: {  	_ =	strace s4  }
0x98: {  	_ =	strace $0x8FFFFFFF  }
0x99: {  	s19 =	sld [smem:$0x3FDB];
	_ =	sdelay $0x1  }
0x9a: {  	s5 =	simm.s32 $_scs_section_size  }
0x9b: {  	s6 =	simm.s32 $_size__tile_overlayer_lowered;
	s7 =	simm.s32 $_tile_overlayer_lowered  }
0x9c: {  	s22 =	simm.s32 $0x1BFF;
	s21 =	sshll.u32 s7, $0x1;
	s4 =	sadd.s32 s5, s19  }
0x9d: {  	s8 =	simm.s32 $0x0;
	s20 =	sshll.u32 s6, $0x1;
	s6 =	sadd.s32 s21, s4  }
0x9e: {  	[timem:s8], [sflag:s22] =	dma.local [hbm:s6], s20  }
0x9f: {  	_ =	swait.ge [sflag:s22], s20  }
0xa0: {  	s5 =	ssub.s32 $0x0, s20;
	[sflag:s22] =	ssyncset.done $0x0  }
0xa1: {  	[sflag:s22] =	ssyncadd.s32 s5;
	_ =	sdelay $0x1  }
0xa2: {  	s23 =	simm.s32 $0x1B8B  }
0xa3: {  	_ =	swait.ge [sflag:s23], $0x1  }
0xa4: {  	[sflag:s23] =	ssyncset.done $0x0  }
0xa5: {  	s25 =	simm.s32 $0x1B8E;
	s24 =	sld [smem:$0x3FFE];
	[sflag:s23] =	ssyncadd.s32 $0xFFFFFFFF  }
0xa6: {  	s26 =	simm.s32 $execute0_lowered;
	[smem:$0x3FD2] =	sst s25  }
0xa7: {  	s6 =	sshll.u32 s26, $0x1;
	_ =	strace $0x80000046;
	[dreg:$0x1] =	wrdreg $0xFFFFFFFF  }
0xa8: {  	s28 =	simm.s32 $_size_execute0_lowered;
	s4 =	sadd.s32 s4, s6;
	[dreg:$0x0] =	wrdreg $0x0  }
0xa9: {  	s6 =	sshll.u32 s28, $0x1;
	[dreg:$0x2] =	wrdreg s4  }
0xaa: {  	[dreg:$0x3] =	wrdreg s6  }
0xab: {  	[dreg:$0x4] =	wrdreg $0xC0  }
0xac: {  	_ =	task [dreg:s8], $0x5FFFF  }
0xad: {  	[dreg:$0x1] =	wrdreg $0xFFFFFFFF  }
0xae: {  	[dreg:$0x0] =	wrdreg $0x60  }
0xaf: {  	[dreg:$0x2] =	wrdreg s24  }
0xb0: {  	[dreg:$0x3] =	wrdreg s2  }
0xb1: {  	[dreg:$0x4] =	wrdreg s18  }
0xb2: {  	[dreg:$0x5] =	wrdreg $0x9  }
0xb3: {  	_ =	task.clear_ibuf [dreg:s8], $0x6FFFF;
	_ =	strace $0x90000046  }
0xb4: {  	s29 =	simm.s32 $0x9;
	_ =	strace $0x80000048  }
0xb5: {  	_ =	swait.ge [sflag:s29], $0x1  }
0xb6: {  	[sflag:s29] =	ssyncadd.s32 $0xFFFFFFFF  }
0xb7: {  	_ =	strace $0x90000048  }
0xb8: {  	_ =	sfence  }
0xb9: {  	s30 =	sld [smem:$0x0];
	_ =	sdelay $0x2  }
0xba: {  	s31 =	sshll.u32 s1, $0xD;
	s1 =	sshrl.u32 s1, $0x2  }
0xbb: {  	s3 =	sand.u32 $0x4000, s31;
	s1 =	sadd.s32 s1, s30  }
0xbc: {  	s0 =	sor.u32 s3, s0;
	s1 =	sshll.u32 s1, $0x11  }
0xbd: {  	s0 =	sor.u32 s1, s0  }
0xbe: {  	s0 =	sadd.s32 $0x8F2B, s0  }
0xbf: {  	[sflag:s0] =	ssyncadd.remote.s32 $0x1  }
0xc0: {  	_ =	sfence.sel $0xFFFF  }
0xc1: {  	[dreg:$0x0] =	wrdreg $0xFFFFFFFF;
	(pc) =	sbr.abs _section_cstart, $3  }
0xc2: {  	[dreg:$0x1] =	wrdreg $0xFFFFFFFF  }
0xc3: {  	_ =	task.clear_ibuf [dreg:s8], $0x2FFFF;
	_ =	strace $0x9FFFFFFF  }
0xc4: {  	(tm) =	ssettm $0x7FFFFFFF  }
0xc5: {  	_ =	shalt  }
tec
execute0_lowered:
.L_overlay_start_1:
0x0: {  	(tag) =	ssettag $0x1  }
0x1: {  	s4 =	rddreg [dreg:$0x0]  }
0x2: {  	s2 =	rddreg [dreg:$0x1]  }
0x3: {  	s5 =	rddreg [dreg:$0x2];
	s3 =	srdreg.scid  }
0x4: {  	s0 =	rddreg [dreg:$0x3];
	s1 =	stileid.u32;
	s9 =	simm.f32 $1.000000000e+00  }
0x5: {  	s10 =	simm.s32 $0x1;
	s11 =	simm.s32 $0x480;
	s6 =	sand.u32 $0x1, s3  }
0x6: {  	s3 =	simm.s32 $0x0;
	s7 =	sshll.u32 s1, $0x1;
	s8 =	ssub.s32 $0x2, s6  }
0x7: {  	[smem:$0x7FF] =	sst s3;
	s6 =	sor.u32 s6, s7;
	s31 =	sshrl.u32 s8, $0x1  }
0x8: {  	_ =	strace $0x80000047;
	s4 =	sadd.s32 s6, s4;
	p0 =	slt.u32 s6, $0x19  }
0x9: {  	s6 =	sshll.u32 s6, $0x4;
	s7 =	ssub.s32 s8, s31;
	s4 =	sadd.s32 $0xA00, s4  }
0xa: {  	s9 =	simm.s32 @!p0 $0x0;
	s5 =	sadd.s32 s5, s6;
	s8 =	simm.s32 $0x8  }
0xb: {  	s6 =	smax.u32 s7, $0x1;
	s7 =	simm.s32 $0x2;
	v0 =	vmov s9;
	s9 =	simm.s32 $0x80  }
.LBB2_1:
0xc: {  	[tilespmem:s3], [sflag:$0x2] =	stream.linear.gather [hbm4b:s4+s3], $0x8, $0x38;
	[tilespmem:$0x500] =	vst v63  }
0xd: {  	_ =	swait.ge [sflag:s7], $0x8  }
0xe: {  	[sflag:s7] =	ssyncset.done $0x0  }
0xf: {  	[sflag:s7] =	ssyncadd.s32 $0xFFFFFFF8  }
0x10: {  	[tilespmem:s9], [sflag:$0x1] =	stream.indirect.gather [hbm4b:s2+s8], $0x80, s3, s8, $0xb8;
	[tilespmem:$0x500] =	vst v63  }
0x11: {  	_ =	swait.ge [sflag:s10], $0x400  }
0x12: {  	[sflag:s10] =	ssyncset.done $0x0  }
0x13: {  	[sflag:s10] =	ssyncadd.s32 $0xFFFFFC00  }
0x14: {  	v1 =	vld [tilespmem:$0x80]  }
0x15: {  	v2 =	vld [tilespmem:$0x100]  }
0x16: {  	v3 =	vld [tilespmem:$0x180]  }
0x17: {  	v4 =	vld [tilespmem:$0x200]  }
0x18: {  	v5 =	vld [tilespmem:$0x280]  }
0x19: {  	v7 =	vld [tilespmem:$0x380]  }
0x1a: {  	v8 =	vld [tilespmem:$0x400]  }
0x1b: {  	v9 =	vld [tilespmem:$0x90]  }
0x1c: {  	v10 =	vld [tilespmem:$0x110]  }
0x1d: {  	v11 =	vld [tilespmem:$0x190]  }
0x1e: {  	v12 =	vld [tilespmem:$0x210]  }
0x1f: {  	v13 =	vld [tilespmem:$0x290]  }
0x20: {  	v14 =	vld [tilespmem:$0x310]  }
0x21: {  	v15 =	vld [tilespmem:$0x390]  }
0x22: {  	v16 =	vld [tilespmem:$0x410]  }
0x23: {  	v17 =	vld [tilespmem:$0xA0]  }
0x24: {  	v18 =	vld [tilespmem:$0x120]  }
0x25: {  	v19 =	vld [tilespmem:$0x1A0]  }
0x26: {  	v20 =	vld [tilespmem:$0x220]  }
0x27: {  	v21 =	vld [tilespmem:$0x2A0]  }
0x28: {  	v22 =	vld [tilespmem:$0x320]  }
0x29: {  	v23 =	vld [tilespmem:$0x3A0]  }
0x2a: {  	v25 =	vld [tilespmem:$0xB0];
	v1 =	vmul.f32 v1, v0  }
0x2b: {  	v26 =	vld [tilespmem:$0x130];
	v9 =	vmul.f32 v9, v0;
	v2 =	vmul.f32 v2, v0  }
0x2c: {  	v27 =	vld [tilespmem:$0x1B0];
	v10 =	vmul.f32 v10, v0;
	v62 =	vmul.f32 v11, v0  }
0x2d: {  	v63 =	vld [tilespmem:$0x2B0];
	v31 =	vmul.f32 v12, v0;
	v33 =	vmul.f32 v13, v0  }
0x2e: {  	v32 =	vld [tilespmem:$0x3B0];
	v35 =	vmul.f32 v17, v0;
	v37 =	vmul.f32 v14, v0  }
0x2f: {  	v34 =	vld [tilespmem:$0xC0];
	v38 =	vmul.f32 v25, v0;
	v40 =	vmul.f32 v18, v0  }
0x30: {  	v39 =	vld [tilespmem:$0x1C0];
	v43 =	vmul.f32 v26, v0;
	v7 =	vmul.f32 v7, v0  }
0x31: {  	v48 =	vld [tilespmem:$0xD0];
	v45 =	vmul.f32 v19, v0;
	v15 =	vmul.f32 v15, v0  }
0x32: {  	v50 =	vld [tilespmem:$0x150];
	v46 =	vmul.f32 v27, v0;
	v47 =	vmul.f32 v20, v0  }
0x33: {  	v52 =	vld [tilespmem:$0x1D0];
	v8 =	vmul.f32 v8, v0;
	v49 =	vmul.f32 v21, v0  }
0x34: {  	v44 =	vld [tilespmem:$0x2C0];
	v16 =	vmul.f32 v16, v0;
	v51 =	vmul.f32 v63, v0  }
0x35: {  	v6 =	vld [tilespmem:$0x300];
	v53 =	vmul.f32 v22, v0;
	v56 =	vmul.f32 v23, v0  }
0x36: {  	v60 =	vld [tilespmem:$0x3D0];
	v13 =	vmul.f32 v34, v0;
	v58 =	vmul.f32 v32, v0  }
0x37: {  	v55 =	vld [tilespmem:$0x2D0];
	v59 =	vmul.f32 v48, v0;
	v29 =	vmul.f32 v50, v0  }
0x38: {  	v32 =	vmul.f32 v39, v0;
	v11 =	vmul.f32 v52, v0;
	v34 =	vld [tilespmem:$0x160];
	v1 =	vadd.f32 $0.0e+00, v1  }
0x39: {  	v19 =	vld [tilespmem:$0x340];
	v39 =	vmul.f32 v44, v0;
	v9 =	vadd.f32 $0.0e+00, v9;
	v42 =	vadd.f32 $0.0e+00, v38  }
0x3a: {  	v36 =	vld [tilespmem:$0x140];
	v61 =	vadd.f32 $0.0e+00, v13;
	v1 =	vadd.f32 v2, v1;
	v2 =	vmul.f32 v3, v0  }
0x3b: {  	v14 =	vmul.f32 v60, v0;
	v28 =	vadd.f32 $0.0e+00, v59;
	v3 =	vld [tilespmem:$0x230];
	v9 =	vadd.f32 v10, v9  }
0x3c: {  	v27 =	vld [tilespmem:$0x3C0];
	v10 =	vadd.f32 v43, v42;
	v1 =	vadd.f32 v2, v1;
	v2 =	vmul.f32 v4, v0  }
0x3d: {  	v63 =	vld [tilespmem:$0x450];
	v42 =	vmul.f32 v55, v0;
	v12 =	vmul.f32 v34, v0;
	v9 =	vadd.f32 v62, v9  }
0x3e: {  	v30 =	vld [tilespmem:$0x330];
	v19 =	vmul.f32 v19, v0;
	v1 =	vadd.f32 v2, v1;
	v2 =	vmul.f32 v5, v0  }
0x3f: {  	v41 =	vld [tilespmem:$0x240];
	v10 =	vadd.f32 v46, v10;
	v62 =	vmul.f32 v36, v0;
	v9 =	vadd.f32 v31, v9  }
0x40: {  	v24 =	vld [tilespmem:$0x420];
	v3 =	vmul.f32 v3, v0;
	v1 =	vadd.f32 v2, v1;
	v2 =	vmul.f32 v6, v0  }
0x41: {  	v52 =	vmul.f32 v27, v0;
	v36 =	vld [tilespmem:$0x170];
	v9 =	vadd.f32 v33, v9;
	v6 =	vadd.f32 v62, v61  }
0x42: {  	v43 =	vld [tilespmem:$0x260];
	v60 =	vmul.f32 v63, v0;
	v3 =	vadd.f32 v3, v10;
	v1 =	vadd.f32 v2, v1  }
0x43: {  	v4 =	vmul.f32 v30, v0;
	v30 =	vld [tilespmem:$0xE0];
	v2 =	vadd.f32 $0.0e+00, v35;
	v9 =	vadd.f32 v37, v9  }
0x44: {  	v33 =	vld [tilespmem:$0xF0];
	v6 =	vadd.f32 v32, v6;
	v35 =	vmul.f32 v41, v0;
	v3 =	vadd.f32 v51, v3  }
0x45: {  	v46 =	vld [tilespmem:$0x270];
	v31 =	vmul.f32 v24, v0;
	v2 =	vadd.f32 v40, v2;
	v1 =	vadd.f32 v7, v1  }
0x46: {  	v54 =	vld [tilespmem:$0x250];
	v18 =	vmul.f32 v36, v0;
	v9 =	vadd.f32 v15, v9;
	v6 =	vadd.f32 v35, v6  }
0x47: {  	v5 =	vld [tilespmem:$0x430];
	v10 =	vmul.f32 v43, v0;
	v3 =	vadd.f32 v4, v3;
	v4 =	vadd.f32 v29, v28  }
0x48: {  	v38 =	vld [tilespmem:$0x1E0];
	v40 =	vmul.f32 v30, v0;
	v2 =	vadd.f32 v45, v2;
	v1 =	vadd.f32 v8, v1  }
0x49: {  	v41 =	vld [tilespmem:$0x1F0];
	v44 =	vmul.f32 v33, v0;
	v9 =	vadd.f32 v16, v9;
	v6 =	vadd.f32 v39, v6  }
0x4a: {  	v57 =	vld [tilespmem:$0x350];
	v13 =	vmul.f32 v46, v0;
	v45 =	vadd.f32 $0.0e+00, v40;
	v3 =	vadd.f32 v58, v3  }
0x4b: {  	v48 =	vld [tilespmem:$0x2F0];
	v37 =	vmul.f32 v54, v0;
	v4 =	vadd.f32 v11, v4;
	v20 =	vadd.f32 $0.0e+00, v44  }
0x4c: {  	v5 =	vmul.f32 v5, v0;
	v2 =	vadd.f32 v47, v2;
	v47 =	vld [tilespmem:$0x2E0];
	v11 =	vadd.f32 v12, v45  }
0x4d: {  	v51 =	vld [tilespmem:$0x3E0];
	v8 =	vmul.f32 v38, v0;
	v6 =	vadd.f32 v19, v6;
	v4 =	vadd.f32 v37, v4  }
0x4e: {  	v15 =	vmul.f32 v41, v0;
	v18 =	vadd.f32 v18, v20;
	v2 =	vadd.f32 v49, v2;
	v49 =	vld [tilespmem:$0x360]  }
0x4f: {  	v50 =	vld [tilespmem:$0x370];
	v16 =	vmul.f32 v57, v0;
	v3 =	vadd.f32 v5, v3;
	v8 =	vadd.f32 v8, v11  }
0x50: {  	v7 =	vld [tilespmem:$0x440];
	v12 =	vmul.f32 v48, v0;
	v4 =	vadd.f32 v42, v4;
	v15 =	vadd.f32 v15, v18  }
0x51: {  	v2 =	vadd.f32 v53, v2;
	v8 =	vadd.f32 v10, v8;
	v53 =	vld [tilespmem:$0x3F0];
	v5 =	vmul.f32 v47, v0  }
0x52: {  	v54 =	vld [tilespmem:$0x460];
	v58 =	vmul.f32 v51, v0;
	v4 =	vadd.f32 v16, v4;
	v13 =	vadd.f32 v13, v15  }
0x53: {  	v2 =	vadd.f32 v56, v2;
	v56 =	vld [tilespmem:$0x470];
	v5 =	vadd.f32 v5, v8;
	v55 =	vmul.f32 v49, v0  }
0x54: {  	v6 =	vadd.f32 v52, v6;
	v11 =	vmul.f32 v50, v0;
	v12 =	vadd.f32 v12, v13  }
0x55: {  	[tilespmem:$0x480] =	vst v1;
	v57 =	vmul.f32 v7, v0;
	v4 =	vadd.f32 v14, v4;
	v1 =	vadd.f32 v55, v5  }
0x56: {  	[tilespmem:$0x490] =	vst v9;
	v2 =	vadd.f32 v31, v2;
	v59 =	vadd.f32 v11, v12;
	v10 =	vmul.f32 v53, v0  }
0x57: {  	v61 =	vmul.f32 v54, v0;
	[tilespmem:$0x4B0] =	vst v3;
	v3 =	vadd.f32 v60, v4;
	v1 =	vadd.f32 v58, v1  }
0x58: {  	[tilespmem:$0x4A0] =	vst v2;
	v2 =	vadd.f32 v57, v6;
	v62 =	vadd.f32 v10, v59;
	v63 =	vmul.f32 v56, v0  }
0x59: {  	[tilespmem:$0x4D0] =	vst v3;
	v1 =	vadd.f32 v61, v1  }
0x5a: {  	[tilespmem:$0x4C0] =	vst v2;
	v2 =	vadd.f32 v63, v62  }
0x5b: {  	p0 =	sne.s32 s6, $0x1;
	[tilespmem:$0x4E0] =	vst v1  }
.Ltmp0:
0x5c: {  	[tilespmem:$0x4F0] =	vst v2;
	(pc) =	sbr.rel @p0 .LBB2_1-.Ltmp0, $4  }
0x5d: {  	[hbm4b:s5+s3] =	stream.linear.scatter [tilespmem:s11], [sflag:$0x2], $0x80, $0x38;
	[tilespmem:$0x500] =	vst v63  }
0x5e: {  	_ =	swait.ge [sflag:s7], $0x80  }
0x5f: {  	[sflag:s7] =	ssyncset.done $0x0  }
0x60: {  	s6 =	sadd.s32 $0xFFFFFFFF, s6;
	[sflag:s7] =	ssyncadd.s32 $0xFFFFFF80  }
0x61: {  	_ =	sfence.sel $0x180000  }
0x62: {  	[bflag:$0x0] =	sbarrier.arrive $0xFFFF  }
0x63: {  	p0 =	sne.s32 s1, $0x0;
	_ =	strace $0x90000047  }
0x64: {  	s0 =	sadd.s32 @!p0 $0x100000, s0;
	[bflag:$0x2] =	sbarrier.arrive $0xFFFF  }
0x65: {  	[sflag:s0] =	ssyncadd.tile.s32 @!p0 $0x1;
	_ =	shalt  }
.Lfunc_end2:
_tile_overlayer_lowered:
.L_overlay_start_2:
0x66: {  	(tag) =	ssettag $0x2  }
0x67: {  	s0 =	rddreg [dreg:$0x0];
	s2 =	stileid.u32  }
0x68: {  	s1 =	rddreg [dreg:$0x1];
	p0 =	sne.s32 s2, $0x0  }
0x69: {  	s3 =	rddreg [dreg:$0x2];
	[bflag:$0x3] =	sbarrier.arrive $0xFFFF;
	s2 =	simm.s32 @!p0 $0x1C02  }
0x6a: {  	[timem:s3], [sflag:s2] =	dma.local @!p0 [hbm:s0], s1  }
0x6b: {  	s0 =	simm.s32 @!p0 $0x2  }
0x6c: {  	_ =	swait.ge @!p0 [sflag:s0], s1  }
0x6d: {  	s1 =	ssub.s32 @!p0 $0x0, s1;
	[sflag:s0] =	ssyncset.done @!p0 $0x0  }
0x6e: {  	[sflag:s0] =	ssyncadd.s32 @!p0 s1  }
0x6f: {  	[bflag:$0x3] =	sbarrier.arrive $0xFFFF  }
0x70: {  	_ =	shalt  }

</sc_bundles>
